<compile_context>
chip_gen: v7x
topology: tpu7x:2x2x1
jax: 0.10.2.dev20260603
libtpu: 0.0.44.dev20260713+nightly
codegen_flags: <defaults>
</compile_context>

<pallas_src>
import functools

import jax
import jax.numpy as jnp
from jax import lax
from jax.experimental import pallas as pl
from jax.experimental.pallas import tpu as pltpu
from jax.experimental.pallas import tpu_sc as plsc

NC = 2
NS = 16
NW = NC * NS
LANES = 128


@functools.lru_cache(maxsize=None)
def _make_gather2(b, s, d):
    assert b == NW * LANES
    assert d % 16 == 0
    eg = d // 8
    gp = d // 16
    mesh = plsc.VectorSubcoreMesh(core_axis_name="c", subcore_axis_name="s")
    plane = jax.ShapeDtypeStruct((s, eg, NW, 8 * LANES), jnp.float32)

    @functools.partial(
        pl.kernel,
        mesh=mesh,
        out_type=[plane, plane],
        scratch_types=[
            pltpu.VMEM((s, LANES), jnp.int32),
            pltpu.VMEM((LANES, d), jnp.float32),
            pltpu.VMEM((LANES, d), jnp.float32),
            pltpu.VMEM((LANES, d), jnp.float32),
            pltpu.VMEM((LANES, d), jnp.float32),
            pltpu.VMEM((d * LANES,), jnp.float32),
            pltpu.VMEM((d * LANES,), jnp.float32),
            pltpu.VMEM((d * LANES,), jnp.float32),
            pltpu.VMEM((d * LANES,), jnp.float32),
            pltpu.SemaphoreType.DMA,
            pltpu.SemaphoreType.DMA,
            pltpu.SemaphoreType.DMA,
            pltpu.SemaphoreType.DMA,
            pltpu.SemaphoreType.DMA,
            pltpu.SemaphoreType.DMA,
        ],
        compiler_params=pltpu.CompilerParams(use_tc_tiling_on_sc=False,
                                             needs_layout_passes=False),
    )
    def gather2(xs_hbm, wr_hbm, wi_hbm, pr_hbm, pi_hbm,
                idx_v, br0, br1, bi0, bi1, sr0, sr1, si0, si1,
                gr0, gr1, gi0, gi1, os0, os1):
        w = lax.axis_index("s") * NC + lax.axis_index("c")
        brs = (br0, br1)
        bis = (bi0, bi1)
        srs = (sr0, sr1)
        sis = (si0, si1)
        grs = (gr0, gr1)
        gis = (gi0, gi1)
        oss = (os0, os1)
        iota16 = lax.iota(jnp.int32, 16)
        posbase = [(16 * k + iota16) * LANES for k in range(gp)]

        pltpu.sync_copy(xs_hbm.at[:, pl.ds(w * LANES, LANES)], idx_v)

        def start_gather(si, p):
            pltpu.async_copy(wr_hbm.at[idx_v.at[si]], brs[p], grs[p])
            pltpu.async_copy(wi_hbm.at[idx_v.at[si]], bis[p], gis[p])

        def wait_gather(p):
            pltpu.make_async_copy(wr_hbm.at[pl.ds(0, LANES)], brs[p],
                                  grs[p]).wait()
            pltpu.make_async_copy(wi_hbm.at[pl.ds(0, LANES)], bis[p],
                                  gis[p]).wait()

        def transpose(p):
            def row_body(l, carry):
                for k in range(gp):
                    pos = posbase[k] + l
                    vr = brs[p][l, pl.ds(16 * k, 16)]
                    plsc.store_scatter(srs[p], [pos], vr)
                    vi = bis[p][l, pl.ds(16 * k, 16)]
                    plsc.store_scatter(sis[p], [pos], vi)
                return carry

            lax.fori_loop(0, LANES, row_body, 0, unroll=False)

        def fire_out(si, p):
            def g_body(g, carry):
                pltpu.async_copy(srs[p].at[pl.ds(g * 8 * LANES, 8 * LANES)],
                                 pr_hbm.at[si, g, w], oss[p])
                pltpu.async_copy(sis[p].at[pl.ds(g * 8 * LANES, 8 * LANES)],
                                 pi_hbm.at[si, g, w], oss[p])
                return carry

            lax.fori_loop(0, eg, g_body, 0, unroll=False)

        def drain_out(p):
            def g_body(g, carry):
                pltpu.make_async_copy(srs[p].at[pl.ds(0, 8 * LANES)],
                                      pr_hbm.at[0, 0, 0], oss[p]).wait()
                pltpu.make_async_copy(sis[p].at[pl.ds(0, 8 * LANES)],
                                      pi_hbm.at[0, 0, 0], oss[p]).wait()
                return carry

            lax.fori_loop(0, eg, g_body, 0, unroll=False)

        def step(si, p, start_next, drain_first):
            q = 1 - p
            wait_gather(p)
            if start_next is not None:
                start_gather(start_next, q)
            if drain_first:
                drain_out(p)
            transpose(p)
            fire_out(si, p)

        assert s % 2 == 0 and s >= 6
        start_gather(0, 0)
        step(0, 0, 1, False)
        step(1, 1, 2, False)

        def pair_body(t, carry):
            si = 2 * t
            step(si, 0, si + 1, True)
            step(si + 1, 1, si + 2, True)
            return carry

        lax.fori_loop(1, s // 2 - 1, pair_body, 0, unroll=False)

        step(s - 2, 0, s - 1, True)
        step(s - 1, 1, None, True)

        drain_out(0)
        drain_out(1)

    return gather2


def kernel(x, W_real, W_imag):
    b, s = x.shape
    d = W_real.shape[1]
    xs = jnp.swapaxes(x, 0, 1).astype(jnp.int32)
    pr, pi = _make_gather2(b, s, d)(xs, W_real, W_imag)
    r5 = pr.reshape(s, d // 8, NW, 8, LANES).transpose(2, 4, 0, 1, 3)
    i5 = pi.reshape(s, d // 8, NW, 8, LANES).transpose(2, 4, 0, 1, 3)
    return lax.complex(r5.reshape(b, s, d), i5.reshape(b, s, d))

# --- scband reference (transcript-rebuilt; emitter-appended) ---
"""Pipeline reference for scband-complex-embedding-38027640438989 (READ-ONLY COPY).

The authoritative reference and input builder live on the scoring server;
editing this copy changes nothing except your own understanding.
"""

import jax, jax.numpy as jnp
import numpy as np

NUM_EMBEDDINGS = 1000000
EMBEDDING_DIM = 64
INIT_STD = 0.02


def setup_inputs(seed: int = 0) -> dict:
    key = jax.random.key(seed)
    k1, k2, k3 = jax.random.split(key, 3)
    x = jax.random.randint(k1, (4096, 50), 0, NUM_EMBEDDINGS, dtype=jnp.int64 if jax.config.jax_enable_x64 else jnp.int32)
    std = INIT_STD / np.sqrt(2.0)
    W_real = jax.random.normal(k2, (NUM_EMBEDDINGS, EMBEDDING_DIM), dtype=jnp.float32) * std
    W_imag = jax.random.normal(k3, (NUM_EMBEDDINGS, EMBEDDING_DIM), dtype=jnp.float32) * std
    return {"x": x, "W_real": W_real, "W_imag": W_imag}


def reference(x, W_real, W_imag):
    # Complex-valued embedding lookup: gather real and imaginary tables,
    # then combine into a complex64 tensor [batch, seq_len, embedding_dim].
    real_e = jnp.take(W_real, x, axis=0)
    imag_e = jnp.take(W_imag, x, axis=0)
    return jax.lax.complex(real_e, imag_e)

if __name__ == "__main__":
    import jax
    _d = setup_inputs()
    print(jax.jit(kernel)(*tuple(_d.values())))

</pallas_src>

<mosaic_0001>
#map = affine_map<(d0, d1) -> (0, 0)>
#map1 = affine_map<(d0, d1) -> (0, 0, 0, 0)>
module attributes {stable_mosaic.version = 14 : i64} {
  func.func @gather2(%arg0: i32, %arg1: i32, %arg2: memref<50x4096xi32, #tpu.memory_space<hbm>>, %arg3: memref<1000000x64xf32, #tpu.memory_space<hbm>>, %arg4: memref<1000000x64xf32, #tpu.memory_space<hbm>>, %arg5: memref<50x8x32x1024xf32, #tpu.memory_space<hbm>>, %arg6: memref<50x8x32x1024xf32, #tpu.memory_space<hbm>>, %arg7: memref<50x128xi32, #tpu.memory_space<vmem>>, %arg8: memref<128x64xf32, #tpu.memory_space<vmem>>, %arg9: memref<128x64xf32, #tpu.memory_space<vmem>>, %arg10: memref<128x64xf32, #tpu.memory_space<vmem>>, %arg11: memref<128x64xf32, #tpu.memory_space<vmem>>, %arg12: memref<8192xf32, #tpu.memory_space<vmem>>, %arg13: memref<8192xf32, #tpu.memory_space<vmem>>, %arg14: memref<8192xf32, #tpu.memory_space<vmem>>, %arg15: memref<8192xf32, #tpu.memory_space<vmem>>, %arg16: memref<!tpu.dma_semaphore, #tpu.memory_space<semaphore_mem>>, %arg17: memref<!tpu.dma_semaphore, #tpu.memory_space<semaphore_mem>>, %arg18: memref<!tpu.dma_semaphore, #tpu.memory_space<semaphore_mem>>, %arg19: memref<!tpu.dma_semaphore, #tpu.memory_space<semaphore_mem>>, %arg20: memref<!tpu.dma_semaphore, #tpu.memory_space<semaphore_mem>>, %arg21: memref<!tpu.dma_semaphore, #tpu.memory_space<semaphore_mem>>) attributes {dimension_semantics = [#tpu.dimension_semantics<core_parallel>, #tpu.dimension_semantics<subcore_parallel>], iteration_bounds = array<i64: 2, 16>, scalar_prefetch = 0 : i64, scratch_operands = 15 : i64, tpu.core_type = #tpu.core_type<sc_vector_subcore>, window_params = [{transform_indices = #map}, {transform_indices = #map}, {transform_indices = #map}, {transform_indices = #map1}, {transform_indices = #map1}]} {
    %mul3A = arith.constant 2 : i32
    %mul3A_0 = arith.muli %arg1, %mul3A : i32
    %add3A = arith.addi %mul3A_0, %arg0 : i32
    %iota3A = tpu.iota {dimensions = array<i32: 0>} : vector<16xi32>
    %add3A_1 = arith.constant 0 : i32
    %add3A_2 = vector.broadcast %add3A_1 : i32 to vector<16xi32>
    %add3A_3 = arith.addi %add3A_2, %iota3A : vector<16xi32>
    %mul3A_4 = arith.constant 128 : i32
    %mul3A_5 = vector.broadcast %mul3A_4 : i32 to vector<16xi32>
    %mul3A_6 = arith.muli %add3A_3, %mul3A_5 : vector<16xi32>
    %add3A_7 = arith.constant 16 : i32
    %add3A_8 = vector.broadcast %add3A_7 : i32 to vector<16xi32>
    %add3A_9 = arith.addi %add3A_8, %iota3A : vector<16xi32>
    %mul3A_10 = arith.constant 128 : i32
    %mul3A_11 = vector.broadcast %mul3A_10 : i32 to vector<16xi32>
    %mul3A_12 = arith.muli %add3A_9, %mul3A_11 : vector<16xi32>
    %add3A_13 = arith.constant 32 : i32
    %add3A_14 = vector.broadcast %add3A_13 : i32 to vector<16xi32>
    %add3A_15 = arith.addi %add3A_14, %iota3A : vector<16xi32>
    %mul3A_16 = arith.constant 128 : i32
    %mul3A_17 = vector.broadcast %mul3A_16 : i32 to vector<16xi32>
    %mul3A_18 = arith.muli %add3A_15, %mul3A_17 : vector<16xi32>
    %add3A_19 = arith.constant 48 : i32
    %add3A_20 = vector.broadcast %add3A_19 : i32 to vector<16xi32>
    %add3A_21 = arith.addi %add3A_20, %iota3A : vector<16xi32>
    %mul3A_22 = arith.constant 128 : i32
    %mul3A_23 = vector.broadcast %mul3A_22 : i32 to vector<16xi32>
    %mul3A_24 = arith.muli %add3A_21, %mul3A_23 : vector<16xi32>
    %mul3A_25 = arith.constant 128 : i32
    %mul3A_26 = arith.muli %add3A, %mul3A_25 : i32
    "tpu.region"() ({
      %run_scoped3A = tpu.sem_alloc : memref<!tpu.dma_semaphore, #tpu.memory_space<semaphore_mem>>
      %dma_start3A_206 = arith.constant 0 : i32
      %dma_start3A_207 = tpu.memref_slice %arg2[%dma_start3A_206, %mul3A_26] : memref<50x4096xi32, #tpu.memory_space<hbm>> -> memref<50x128xi32, #tpu.memory_space<hbm>>
      %dma_start3A_208 = arith.constant 0 : i32
      %dma_start3A_209 = tpu.memref_slice %arg2[%dma_start3A_208, %mul3A_26] : memref<50x4096xi32, #tpu.memory_space<hbm>> -> memref<50x128xi32, #tpu.memory_space<hbm>>
      tpu.enqueue_dma source(%dma_start3A_209 : memref<50x128xi32, #tpu.memory_space<hbm>>) target(%arg7 : memref<50x128xi32, #tpu.memory_space<vmem>>) target_semaphore(%run_scoped3A : memref<!tpu.dma_semaphore, #tpu.memory_space<semaphore_mem>>)
      %dma_wait3A_210 = arith.constant 0 : i32
      %dma_wait3A_211 = tpu.memref_slice %arg2[%dma_wait3A_210, %mul3A_26] : memref<50x4096xi32, #tpu.memory_space<hbm>> -> memref<50x128xi32, #tpu.memory_space<hbm>>
      %dma_wait3A_212 = arith.constant 0 : i32
      %dma_wait3A_213 = tpu.memref_slice %arg2[%dma_wait3A_212, %mul3A_26] : memref<50x4096xi32, #tpu.memory_space<hbm>> -> memref<50x128xi32, #tpu.memory_space<hbm>>
      tpu.wait_dma2 semaphore(%run_scoped3A : memref<!tpu.dma_semaphore, #tpu.memory_space<semaphore_mem>>) src(%dma_wait3A_213 : memref<50x128xi32, #tpu.memory_space<hbm>>) dst(%arg7 : memref<50x128xi32, #tpu.memory_space<vmem>>)
      tpu.yield
    }) : () -> ()
    %dma_start3A = arith.constant 0 : i32
    %dma_start3A_27 = arith.constant 0 : i32
    %dma_start3A_28 = tpu.memref_slice %arg7[%dma_start3A, %dma_start3A_27] : memref<50x128xi32, #tpu.memory_space<vmem>> -> memref<1x128xi32, #tpu.memory_space<vmem>>
    %dma_start3A_29 = tpu.memref_squeeze %dma_start3A_28 : memref<1x128xi32, #tpu.memory_space<vmem>> -> memref<128xi32, #tpu.memory_space<vmem>>
    %dma_start3A_30 = arith.constant 0 : i32
    %dma_start3A_31 = arith.constant 0 : i32
    %dma_start3A_32 = tpu.memref_slice %arg3[%dma_start3A_30, %dma_start3A_31] : memref<1000000x64xf32, #tpu.memory_space<hbm>> -> memref<1000000x64xf32, #tpu.memory_space<hbm>>
    tpu.enqueue_indirect_dma source(%dma_start3A_32 : memref<1000000x64xf32, #tpu.memory_space<hbm>>) target(%arg8 : memref<128x64xf32, #tpu.memory_space<vmem>>) offsets(%dma_start3A_29 : memref<128xi32, #tpu.memory_space<vmem>>) semaphore(%arg16 : memref<!tpu.dma_semaphore, #tpu.memory_space<semaphore_mem>>)
    %dma_start3A_33 = arith.constant 0 : i32
    %dma_start3A_34 = arith.constant 0 : i32
    %dma_start3A_35 = tpu.memref_slice %arg7[%dma_start3A_33, %dma_start3A_34] : memref<50x128xi32, #tpu.memory_space<vmem>> -> memref<1x128xi32, #tpu.memory_space<vmem>>
    %dma_start3A_36 = tpu.memref_squeeze %dma_start3A_35 : memref<1x128xi32, #tpu.memory_space<vmem>> -> memref<128xi32, #tpu.memory_space<vmem>>
    %dma_start3A_37 = arith.constant 0 : i32
    %dma_start3A_38 = arith.constant 0 : i32
    %dma_start3A_39 = tpu.memref_slice %arg4[%dma_start3A_37, %dma_start3A_38] : memref<1000000x64xf32, #tpu.memory_space<hbm>> -> memref<1000000x64xf32, #tpu.memory_space<hbm>>
    tpu.enqueue_indirect_dma source(%dma_start3A_39 : memref<1000000x64xf32, #tpu.memory_space<hbm>>) target(%arg10 : memref<128x64xf32, #tpu.memory_space<vmem>>) offsets(%dma_start3A_36 : memref<128xi32, #tpu.memory_space<vmem>>) semaphore(%arg18 : memref<!tpu.dma_semaphore, #tpu.memory_space<semaphore_mem>>)
    %dma_wait3A = arith.constant 0 : i32
    %dma_wait3A_40 = arith.constant 0 : i32
    %dma_wait3A_41 = tpu.memref_slice %arg3[%dma_wait3A, %dma_wait3A_40] : memref<1000000x64xf32, #tpu.memory_space<hbm>> -> memref<128x64xf32, #tpu.memory_space<hbm>>
    %dma_wait3A_42 = arith.constant 0 : i32
    %dma_wait3A_43 = arith.constant 0 : i32
    %dma_wait3A_44 = tpu.memref_slice %arg3[%dma_wait3A_42, %dma_wait3A_43] : memref<1000000x64xf32, #tpu.memory_space<hbm>> -> memref<128x64xf32, #tpu.memory_space<hbm>>
    tpu.wait_dma2 semaphore(%arg16 : memref<!tpu.dma_semaphore, #tpu.memory_space<semaphore_mem>>) src(%dma_wait3A_44 : memref<128x64xf32, #tpu.memory_space<hbm>>) dst(%arg8 : memref<128x64xf32, #tpu.memory_space<vmem>>)
    %dma_wait3A_45 = arith.constant 0 : i32
    %dma_wait3A_46 = arith.constant 0 : i32
    %dma_wait3A_47 = tpu.memref_slice %arg4[%dma_wait3A_45, %dma_wait3A_46] : memref<1000000x64xf32, #tpu.memory_space<hbm>> -> memref<128x64xf32, #tpu.memory_space<hbm>>
    %dma_wait3A_48 = arith.constant 0 : i32
    %dma_wait3A_49 = arith.constant 0 : i32
    %dma_wait3A_50 = tpu.memref_slice %arg4[%dma_wait3A_48, %dma_wait3A_49] : memref<1000000x64xf32, #tpu.memory_space<hbm>> -> memref<128x64xf32, #tpu.memory_space<hbm>>
    tpu.wait_dma2 semaphore(%arg18 : memref<!tpu.dma_semaphore, #tpu.memory_space<semaphore_mem>>) src(%dma_wait3A_50 : memref<128x64xf32, #tpu.memory_space<hbm>>) dst(%arg10 : memref<128x64xf32, #tpu.memory_space<vmem>>)
    %dma_start3A_51 = arith.constant 1 : i32
    %dma_start3A_52 = arith.constant 0 : i32
    %dma_start3A_53 = tpu.memref_slice %arg7[%dma_start3A_51, %dma_start3A_52] : memref<50x128xi32, #tpu.memory_space<vmem>> -> memref<1x128xi32, #tpu.memory_space<vmem>>
    %dma_start3A_54 = tpu.memref_squeeze %dma_start3A_53 : memref<1x128xi32, #tpu.memory_space<vmem>> -> memref<128xi32, #tpu.memory_space<vmem>>
    %dma_start3A_55 = arith.constant 0 : i32
    %dma_start3A_56 = arith.constant 0 : i32
    %dma_start3A_57 = tpu.memref_slice %arg3[%dma_start3A_55, %dma_start3A_56] : memref<1000000x64xf32, #tpu.memory_space<hbm>> -> memref<1000000x64xf32, #tpu.memory_space<hbm>>
    tpu.enqueue_indirect_dma source(%dma_start3A_57 : memref<1000000x64xf32, #tpu.memory_space<hbm>>) target(%arg9 : memref<128x64xf32, #tpu.memory_space<vmem>>) offsets(%dma_start3A_54 : memref<128xi32, #tpu.memory_space<vmem>>) semaphore(%arg17 : memref<!tpu.dma_semaphore, #tpu.memory_space<semaphore_mem>>)
    %dma_start3A_58 = arith.constant 1 : i32
    %dma_start3A_59 = arith.constant 0 : i32
    %dma_start3A_60 = tpu.memref_slice %arg7[%dma_start3A_58, %dma_start3A_59] : memref<50x128xi32, #tpu.memory_space<vmem>> -> memref<1x128xi32, #tpu.memory_space<vmem>>
    %dma_start3A_61 = tpu.memref_squeeze %dma_start3A_60 : memref<1x128xi32, #tpu.memory_space<vmem>> -> memref<128xi32, #tpu.memory_space<vmem>>
    %dma_start3A_62 = arith.constant 0 : i32
    %dma_start3A_63 = arith.constant 0 : i32
    %dma_start3A_64 = tpu.memref_slice %arg4[%dma_start3A_62, %dma_start3A_63] : memref<1000000x64xf32, #tpu.memory_space<hbm>> -> memref<1000000x64xf32, #tpu.memory_space<hbm>>
    tpu.enqueue_indirect_dma source(%dma_start3A_64 : memref<1000000x64xf32, #tpu.memory_space<hbm>>) target(%arg11 : memref<128x64xf32, #tpu.memory_space<vmem>>) offsets(%dma_start3A_61 : memref<128xi32, #tpu.memory_space<vmem>>) semaphore(%arg19 : memref<!tpu.dma_semaphore, #tpu.memory_space<semaphore_mem>>)
    %scan3A = arith.constant 0 : i32
    %scan3A_65 = arith.constant 0 : i32
    %scan3A_66 = arith.constant 128 : i32
    %scan3A_67 = arith.addi %scan3A_65, %scan3A_66 : i32
    %scan3A_68 = arith.constant 1 : i32
    scf.for %scan3A_206 = %scan3A_65 to %scan3A_67 step %scan3A_68  : i32 {
      %add3A_207 = vector.broadcast %scan3A_206 : i32 to vector<16xi32>
      %add3A_208 = arith.addi %mul3A_6, %add3A_207 : vector<16xi32>
      %get3A = arith.index_cast %scan3A_206 : i32 to index
      %get3A_209 = arith.constant 0 : index
      %get3A_210 = tpu.vector_load %arg8[%get3A, %get3A_209] {strides = array<i32>} : memref<128x64xf32, #tpu.memory_space<vmem>>, vector<16xf32>,
      tpu.vector_store_idx %arg12[%add3A_208], %get3A_210 : memref<8192xf32, #tpu.memory_space<vmem>>[vector<16xi32>], vector<16xf32>,
      %get3A_211 = arith.index_cast %scan3A_206 : i32 to index
      %get3A_212 = arith.constant 0 : index
      %get3A_213 = tpu.vector_load %arg10[%get3A_211, %get3A_212] {strides = array<i32>} : memref<128x64xf32, #tpu.memory_space<vmem>>, vector<16xf32>,
      tpu.vector_store_idx %arg14[%add3A_208], %get3A_213 : memref<8192xf32, #tpu.memory_space<vmem>>[vector<16xi32>], vector<16xf32>,
      %add3A_214 = vector.broadcast %scan3A_206 : i32 to vector<16xi32>
      %add3A_215 = arith.addi %mul3A_12, %add3A_214 : vector<16xi32>
      %get3A_216 = arith.index_cast %scan3A_206 : i32 to index
      %get3A_217 = arith.constant 16 : index
      %get3A_218 = tpu.vector_load %arg8[%get3A_216, %get3A_217] {strides = array<i32>} : memref<128x64xf32, #tpu.memory_space<vmem>>, vector<16xf32>,
      tpu.vector_store_idx %arg12[%add3A_215], %get3A_218 : memref<8192xf32, #tpu.memory_space<vmem>>[vector<16xi32>], vector<16xf32>,
      %get3A_219 = arith.index_cast %scan3A_206 : i32 to index
      %get3A_220 = arith.constant 16 : index
      %get3A_221 = tpu.vector_load %arg10[%get3A_219, %get3A_220] {strides = array<i32>} : memref<128x64xf32, #tpu.memory_space<vmem>>, vector<16xf32>,
      tpu.vector_store_idx %arg14[%add3A_215], %get3A_221 : memref<8192xf32, #tpu.memory_space<vmem>>[vector<16xi32>], vector<16xf32>,
      %add3A_222 = vector.broadcast %scan3A_206 : i32 to vector<16xi32>
      %add3A_223 = arith.addi %mul3A_18, %add3A_222 : vector<16xi32>
      %get3A_224 = arith.index_cast %scan3A_206 : i32 to index
      %get3A_225 = arith.constant 32 : index
      %get3A_226 = tpu.vector_load %arg8[%get3A_224, %get3A_225] {strides = array<i32>} : memref<128x64xf32, #tpu.memory_space<vmem>>, vector<16xf32>,
      tpu.vector_store_idx %arg12[%add3A_223], %get3A_226 : memref<8192xf32, #tpu.memory_space<vmem>>[vector<16xi32>], vector<16xf32>,
      %get3A_227 = arith.index_cast %scan3A_206 : i32 to index
      %get3A_228 = arith.constant 32 : index
      %get3A_229 = tpu.vector_load %arg10[%get3A_227, %get3A_228] {strides = array<i32>} : memref<128x64xf32, #tpu.memory_space<vmem>>, vector<16xf32>,
      tpu.vector_store_idx %arg14[%add3A_223], %get3A_229 : memref<8192xf32, #tpu.memory_space<vmem>>[vector<16xi32>], vector<16xf32>,
      %add3A_230 = vector.broadcast %scan3A_206 : i32 to vector<16xi32>
      %add3A_231 = arith.addi %mul3A_24, %add3A_230 : vector<16xi32>
      %get3A_232 = arith.index_cast %scan3A_206 : i32 to index
      %get3A_233 = arith.constant 48 : index
      %get3A_234 = tpu.vector_load %arg8[%get3A_232, %get3A_233] {strides = array<i32>} : memref<128x64xf32, #tpu.memory_space<vmem>>, vector<16xf32>,
      tpu.vector_store_idx %arg12[%add3A_231], %get3A_234 : memref<8192xf32, #tpu.memory_space<vmem>>[vector<16xi32>], vector<16xf32>,
      %get3A_235 = arith.index_cast %scan3A_206 : i32 to index
      %get3A_236 = arith.constant 48 : index
      %get3A_237 = tpu.vector_load %arg10[%get3A_235, %get3A_236] {strides = array<i32>} : memref<128x64xf32, #tpu.memory_space<vmem>>, vector<16xf32>,
      tpu.vector_store_idx %arg14[%add3A_231], %get3A_237 : memref<8192xf32, #tpu.memory_space<vmem>>[vector<16xi32>], vector<16xf32>,
    }
    %scan3A_69 = arith.constant 128 : i32
    %scan3A_70 = arith.constant 0 : i32
    %scan3A_71 = arith.constant 0 : i32
    %scan3A_72 = arith.constant 8 : i32
    %scan3A_73 = arith.addi %scan3A_71, %scan3A_72 : i32
    %scan3A_74 = arith.constant 1 : i32
    scf.for %scan3A_206 = %scan3A_71 to %scan3A_73 step %scan3A_74  : i32 {
      %mul3A_207 = arith.constant 8 : i32
      %mul3A_208 = arith.muli %scan3A_206, %mul3A_207 : i32
      %mul3A_209 = arith.constant 128 : i32
      %mul3A_210 = arith.muli %mul3A_208, %mul3A_209 : i32
      %dma_start3A_211 = arith.constant 0 : i32
      %dma_start3A_212 = tpu.memref_slice %arg12[%mul3A_210] : memref<8192xf32, #tpu.memory_space<vmem>> -> memref<1024xf32, #tpu.memory_space<vmem>>
      %dma_start3A_213 = arith.constant 0 : i32
      %dma_start3A_214 = tpu.memref_slice %arg5[%dma_start3A_211, %scan3A_206, %add3A, %dma_start3A_213] : memref<50x8x32x1024xf32, #tpu.memory_space<hbm>> -> memref<1x1x1x1024xf32, #tpu.memory_space<hbm>>
      %dma_start3A_215 = tpu.memref_squeeze %dma_start3A_214 : memref<1x1x1x1024xf32, #tpu.memory_space<hbm>> -> memref<1024xf32, #tpu.memory_space<hbm>>
      %dma_start3A_216 = arith.constant 0 : i32
      %dma_start3A_217 = tpu.memref_slice %arg5[%dma_start3A_211, %scan3A_206, %add3A, %dma_start3A_216] : memref<50x8x32x1024xf32, #tpu.memory_space<hbm>> -> memref<1x1x1x1024xf32, #tpu.memory_space<hbm>>
      %dma_start3A_218 = tpu.memref_squeeze %dma_start3A_217 : memref<1x1x1x1024xf32, #tpu.memory_space<hbm>> -> memref<1024xf32, #tpu.memory_space<hbm>>
      %dma_start3A_219 = tpu.memref_slice %arg12[%mul3A_210] : memref<8192xf32, #tpu.memory_space<vmem>> -> memref<1024xf32, #tpu.memory_space<vmem>>
      tpu.enqueue_dma source(%dma_start3A_219 : memref<1024xf32, #tpu.memory_space<vmem>>) target(%dma_start3A_218 : memref<1024xf32, #tpu.memory_space<hbm>>) target_semaphore(%arg20 : memref<!tpu.dma_semaphore, #tpu.memory_space<semaphore_mem>>)
      %mul3A_220 = arith.constant 8 : i32
      %mul3A_221 = arith.muli %scan3A_206, %mul3A_220 : i32
      %mul3A_222 = arith.constant 128 : i32
      %mul3A_223 = arith.muli %mul3A_221, %mul3A_222 : i32
      %dma_start3A_224 = arith.constant 0 : i32
      %dma_start3A_225 = tpu.memref_slice %arg14[%mul3A_223] : memref<8192xf32, #tpu.memory_space<vmem>> -> memref<1024xf32, #tpu.memory_space<vmem>>
      %dma_start3A_226 = arith.constant 0 : i32
      %dma_start3A_227 = tpu.memref_slice %arg6[%dma_start3A_224, %scan3A_206, %add3A, %dma_start3A_226] : memref<50x8x32x1024xf32, #tpu.memory_space<hbm>> -> memref<1x1x1x1024xf32, #tpu.memory_space<hbm>>
      %dma_start3A_228 = tpu.memref_squeeze %dma_start3A_227 : memref<1x1x1x1024xf32, #tpu.memory_space<hbm>> -> memref<1024xf32, #tpu.memory_space<hbm>>
      %dma_start3A_229 = arith.constant 0 : i32
      %dma_start3A_230 = tpu.memref_slice %arg6[%dma_start3A_224, %scan3A_206, %add3A, %dma_start3A_229] : memref<50x8x32x1024xf32, #tpu.memory_space<hbm>> -> memref<1x1x1x1024xf32, #tpu.memory_space<hbm>>
      %dma_start3A_231 = tpu.memref_squeeze %dma_start3A_230 : memref<1x1x1x1024xf32, #tpu.memory_space<hbm>> -> memref<1024xf32, #tpu.memory_space<hbm>>
      %dma_start3A_232 = tpu.memref_slice %arg14[%mul3A_223] : memref<8192xf32, #tpu.memory_space<vmem>> -> memref<1024xf32, #tpu.memory_space<vmem>>
      tpu.enqueue_dma source(%dma_start3A_232 : memref<1024xf32, #tpu.memory_space<vmem>>) target(%dma_start3A_231 : memref<1024xf32, #tpu.memory_space<hbm>>) target_semaphore(%arg20 : memref<!tpu.dma_semaphore, #tpu.memory_space<semaphore_mem>>)
    }
    %scan3A_75 = arith.constant 8 : i32
    %dma_wait3A_76 = arith.constant 0 : i32
    %dma_wait3A_77 = arith.constant 0 : i32
    %dma_wait3A_78 = tpu.memref_slice %arg3[%dma_wait3A_76, %dma_wait3A_77] : memref<1000000x64xf32, #tpu.memory_space<hbm>> -> memref<128x64xf32, #tpu.memory_space<hbm>>
    %dma_wait3A_79 = arith.constant 0 : i32
    %dma_wait3A_80 = arith.constant 0 : i32
    %dma_wait3A_81 = tpu.memref_slice %arg3[%dma_wait3A_79, %dma_wait3A_80] : memref<1000000x64xf32, #tpu.memory_space<hbm>> -> memref<128x64xf32, #tpu.memory_space<hbm>>
    tpu.wait_dma2 semaphore(%arg17 : memref<!tpu.dma_semaphore, #tpu.memory_space<semaphore_mem>>) src(%dma_wait3A_81 : memref<128x64xf32, #tpu.memory_space<hbm>>) dst(%arg9 : memref<128x64xf32, #tpu.memory_space<vmem>>)
    %dma_wait3A_82 = arith.constant 0 : i32
    %dma_wait3A_83 = arith.constant 0 : i32
    %dma_wait3A_84 = tpu.memref_slice %arg4[%dma_wait3A_82, %dma_wait3A_83] : memref<1000000x64xf32, #tpu.memory_space<hbm>> -> memref<128x64xf32, #tpu.memory_space<hbm>>
    %dma_wait3A_85 = arith.constant 0 : i32
    %dma_wait3A_86 = arith.constant 0 : i32
    %dma_wait3A_87 = tpu.memref_slice %arg4[%dma_wait3A_85, %dma_wait3A_86] : memref<1000000x64xf32, #tpu.memory_space<hbm>> -> memref<128x64xf32, #tpu.memory_space<hbm>>
    tpu.wait_dma2 semaphore(%arg19 : memref<!tpu.dma_semaphore, #tpu.memory_space<semaphore_mem>>) src(%dma_wait3A_87 : memref<128x64xf32, #tpu.memory_space<hbm>>) dst(%arg11 : memref<128x64xf32, #tpu.memory_space<vmem>>)
    %dma_start3A_88 = arith.constant 2 : i32
    %dma_start3A_89 = arith.constant 0 : i32
    %dma_start3A_90 = tpu.memref_slice %arg7[%dma_start3A_88, %dma_start3A_89] : memref<50x128xi32, #tpu.memory_space<vmem>> -> memref<1x128xi32, #tpu.memory_space<vmem>>
    %dma_start3A_91 = tpu.memref_squeeze %dma_start3A_90 : memref<1x128xi32, #tpu.memory_space<vmem>> -> memref<128xi32, #tpu.memory_space<vmem>>
    %dma_start3A_92 = arith.constant 0 : i32
    %dma_start3A_93 = arith.constant 0 : i32
    %dma_start3A_94 = tpu.memref_slice %arg3[%dma_start3A_92, %dma_start3A_93] : memref<1000000x64xf32, #tpu.memory_space<hbm>> -> memref<1000000x64xf32, #tpu.memory_space<hbm>>
    tpu.enqueue_indirect_dma source(%dma_start3A_94 : memref<1000000x64xf32, #tpu.memory_space<hbm>>) target(%arg8 : memref<128x64xf32, #tpu.memory_space<vmem>>) offsets(%dma_start3A_91 : memref<128xi32, #tpu.memory_space<vmem>>) semaphore(%arg16 : memref<!tpu.dma_semaphore, #tpu.memory_space<semaphore_mem>>)
    %dma_start3A_95 = arith.constant 2 : i32
    %dma_start3A_96 = arith.constant 0 : i32
    %dma_start3A_97 = tpu.memref_slice %arg7[%dma_start3A_95, %dma_start3A_96] : memref<50x128xi32, #tpu.memory_space<vmem>> -> memref<1x128xi32, #tpu.memory_space<vmem>>
    %dma_start3A_98 = tpu.memref_squeeze %dma_start3A_97 : memref<1x128xi32, #tpu.memory_space<vmem>> -> memref<128xi32, #tpu.memory_space<vmem>>
    %dma_start3A_99 = arith.constant 0 : i32
    %dma_start3A_100 = arith.constant 0 : i32
    %dma_start3A_101 = tpu.memref_slice %arg4[%dma_start3A_99, %dma_start3A_100] : memref<1000000x64xf32, #tpu.memory_space<hbm>> -> memref<1000000x64xf32, #tpu.memory_space<hbm>>
    tpu.enqueue_indirect_dma source(%dma_start3A_101 : memref<1000000x64xf32, #tpu.memory_space<hbm>>) target(%arg10 : memref<128x64xf32, #tpu.memory_space<vmem>>) offsets(%dma_start3A_98 : memref<128xi32, #tpu.memory_space<vmem>>) semaphore(%arg18 : memref<!tpu.dma_semaphore, #tpu.memory_space<semaphore_mem>>)
    %scan3A_102 = arith.constant 0 : i32
    %scan3A_103 = arith.constant 0 : i32
    %scan3A_104 = arith.constant 128 : i32
    %scan3A_105 = arith.addi %scan3A_103, %scan3A_104 : i32
    %scan3A_106 = arith.constant 1 : i32
    scf.for %scan3A_206 = %scan3A_103 to %scan3A_105 step %scan3A_106  : i32 {
      %add3A_207 = vector.broadcast %scan3A_206 : i32 to vector<16xi32>
      %add3A_208 = arith.addi %mul3A_6, %add3A_207 : vector<16xi32>
      %get3A = arith.index_cast %scan3A_206 : i32 to index
      %get3A_209 = arith.constant 0 : index
      %get3A_210 = tpu.vector_load %arg9[%get3A, %get3A_209] {strides = array<i32>} : memref<128x64xf32, #tpu.memory_space<vmem>>, vector<16xf32>,
      tpu.vector_store_idx %arg13[%add3A_208], %get3A_210 : memref<8192xf32, #tpu.memory_space<vmem>>[vector<16xi32>], vector<16xf32>,
      %get3A_211 = arith.index_cast %scan3A_206 : i32 to index
      %get3A_212 = arith.constant 0 : index
      %get3A_213 = tpu.vector_load %arg11[%get3A_211, %get3A_212] {strides = array<i32>} : memref<128x64xf32, #tpu.memory_space<vmem>>, vector<16xf32>,
      tpu.vector_store_idx %arg15[%add3A_208], %get3A_213 : memref<8192xf32, #tpu.memory_space<vmem>>[vector<16xi32>], vector<16xf32>,
      %add3A_214 = vector.broadcast %scan3A_206 : i32 to vector<16xi32>
      %add3A_215 = arith.addi %mul3A_12, %add3A_214 : vector<16xi32>
      %get3A_216 = arith.index_cast %scan3A_206 : i32 to index
      %get3A_217 = arith.constant 16 : index
      %get3A_218 = tpu.vector_load %arg9[%get3A_216, %get3A_217] {strides = array<i32>} : memref<128x64xf32, #tpu.memory_space<vmem>>, vector<16xf32>,
      tpu.vector_store_idx %arg13[%add3A_215], %get3A_218 : memref<8192xf32, #tpu.memory_space<vmem>>[vector<16xi32>], vector<16xf32>,
      %get3A_219 = arith.index_cast %scan3A_206 : i32 to index
      %get3A_220 = arith.constant 16 : index
      %get3A_221 = tpu.vector_load %arg11[%get3A_219, %get3A_220] {strides = array<i32>} : memref<128x64xf32, #tpu.memory_space<vmem>>, vector<16xf32>,
      tpu.vector_store_idx %arg15[%add3A_215], %get3A_221 : memref<8192xf32, #tpu.memory_space<vmem>>[vector<16xi32>], vector<16xf32>,
      %add3A_222 = vector.broadcast %scan3A_206 : i32 to vector<16xi32>
      %add3A_223 = arith.addi %mul3A_18, %add3A_222 : vector<16xi32>
      %get3A_224 = arith.index_cast %scan3A_206 : i32 to index
      %get3A_225 = arith.constant 32 : index
      %get3A_226 = tpu.vector_load %arg9[%get3A_224, %get3A_225] {strides = array<i32>} : memref<128x64xf32, #tpu.memory_space<vmem>>, vector<16xf32>,
      tpu.vector_store_idx %arg13[%add3A_223], %get3A_226 : memref<8192xf32, #tpu.memory_space<vmem>>[vector<16xi32>], vector<16xf32>,
      %get3A_227 = arith.index_cast %scan3A_206 : i32 to index
      %get3A_228 = arith.constant 32 : index
      %get3A_229 = tpu.vector_load %arg11[%get3A_227, %get3A_228] {strides = array<i32>} : memref<128x64xf32, #tpu.memory_space<vmem>>, vector<16xf32>,
      tpu.vector_store_idx %arg15[%add3A_223], %get3A_229 : memref<8192xf32, #tpu.memory_space<vmem>>[vector<16xi32>], vector<16xf32>,
      %add3A_230 = vector.broadcast %scan3A_206 : i32 to vector<16xi32>
      %add3A_231 = arith.addi %mul3A_24, %add3A_230 : vector<16xi32>
      %get3A_232 = arith.index_cast %scan3A_206 : i32 to index
      %get3A_233 = arith.constant 48 : index
      %get3A_234 = tpu.vector_load %arg9[%get3A_232, %get3A_233] {strides = array<i32>} : memref<128x64xf32, #tpu.memory_space<vmem>>, vector<16xf32>,
      tpu.vector_store_idx %arg13[%add3A_231], %get3A_234 : memref<8192xf32, #tpu.memory_space<vmem>>[vector<16xi32>], vector<16xf32>,
      %get3A_235 = arith.index_cast %scan3A_206 : i32 to index
      %get3A_236 = arith.constant 48 : index
      %get3A_237 = tpu.vector_load %arg11[%get3A_235, %get3A_236] {strides = array<i32>} : memref<128x64xf32, #tpu.memory_space<vmem>>, vector<16xf32>,
      tpu.vector_store_idx %arg15[%add3A_231], %get3A_237 : memref<8192xf32, #tpu.memory_space<vmem>>[vector<16xi32>], vector<16xf32>,
    }
    %scan3A_107 = arith.constant 128 : i32
    %scan3A_108 = arith.constant 0 : i32
    %scan3A_109 = arith.constant 0 : i32
    %scan3A_110 = arith.constant 8 : i32
    %scan3A_111 = arith.addi %scan3A_109, %scan3A_110 : i32
    %scan3A_112 = arith.constant 1 : i32
    scf.for %scan3A_206 = %scan3A_109 to %scan3A_111 step %scan3A_112  : i32 {
      %mul3A_207 = arith.constant 8 : i32
      %mul3A_208 = arith.muli %scan3A_206, %mul3A_207 : i32
      %mul3A_209 = arith.constant 128 : i32
      %mul3A_210 = arith.muli %mul3A_208, %mul3A_209 : i32
      %dma_start3A_211 = arith.constant 1 : i32
      %dma_start3A_212 = tpu.memref_slice %arg13[%mul3A_210] : memref<8192xf32, #tpu.memory_space<vmem>> -> memref<1024xf32, #tpu.memory_space<vmem>>
      %dma_start3A_213 = arith.constant 0 : i32
      %dma_start3A_214 = tpu.memref_slice %arg5[%dma_start3A_211, %scan3A_206, %add3A, %dma_start3A_213] : memref<50x8x32x1024xf32, #tpu.memory_space<hbm>> -> memref<1x1x1x1024xf32, #tpu.memory_space<hbm>>
      %dma_start3A_215 = tpu.memref_squeeze %dma_start3A_214 : memref<1x1x1x1024xf32, #tpu.memory_space<hbm>> -> memref<1024xf32, #tpu.memory_space<hbm>>
      %dma_start3A_216 = arith.constant 0 : i32
      %dma_start3A_217 = tpu.memref_slice %arg5[%dma_start3A_211, %scan3A_206, %add3A, %dma_start3A_216] : memref<50x8x32x1024xf32, #tpu.memory_space<hbm>> -> memref<1x1x1x1024xf32, #tpu.memory_space<hbm>>
      %dma_start3A_218 = tpu.memref_squeeze %dma_start3A_217 : memref<1x1x1x1024xf32, #tpu.memory_space<hbm>> -> memref<1024xf32, #tpu.memory_space<hbm>>
      %dma_start3A_219 = tpu.memref_slice %arg13[%mul3A_210] : memref<8192xf32, #tpu.memory_space<vmem>> -> memref<1024xf32, #tpu.memory_space<vmem>>
      tpu.enqueue_dma source(%dma_start3A_219 : memref<1024xf32, #tpu.memory_space<vmem>>) target(%dma_start3A_218 : memref<1024xf32, #tpu.memory_space<hbm>>) target_semaphore(%arg21 : memref<!tpu.dma_semaphore, #tpu.memory_space<semaphore_mem>>)
      %mul3A_220 = arith.constant 8 : i32
      %mul3A_221 = arith.muli %scan3A_206, %mul3A_220 : i32
      %mul3A_222 = arith.constant 128 : i32
      %mul3A_223 = arith.muli %mul3A_221, %mul3A_222 : i32
      %dma_start3A_224 = arith.constant 1 : i32
      %dma_start3A_225 = tpu.memref_slice %arg15[%mul3A_223] : memref<8192xf32, #tpu.memory_space<vmem>> -> memref<1024xf32, #tpu.memory_space<vmem>>
      %dma_start3A_226 = arith.constant 0 : i32
      %dma_start3A_227 = tpu.memref_slice %arg6[%dma_start3A_224, %scan3A_206, %add3A, %dma_start3A_226] : memref<50x8x32x1024xf32, #tpu.memory_space<hbm>> -> memref<1x1x1x1024xf32, #tpu.memory_space<hbm>>
      %dma_start3A_228 = tpu.memref_squeeze %dma_start3A_227 : memref<1x1x1x1024xf32, #tpu.memory_space<hbm>> -> memref<1024xf32, #tpu.memory_space<hbm>>
      %dma_start3A_229 = arith.constant 0 : i32
      %dma_start3A_230 = tpu.memref_slice %arg6[%dma_start3A_224, %scan3A_206, %add3A, %dma_start3A_229] : memref<50x8x32x1024xf32, #tpu.memory_space<hbm>> -> memref<1x1x1x1024xf32, #tpu.memory_space<hbm>>
      %dma_start3A_231 = tpu.memref_squeeze %dma_start3A_230 : memref<1x1x1x1024xf32, #tpu.memory_space<hbm>> -> memref<1024xf32, #tpu.memory_space<hbm>>
      %dma_start3A_232 = tpu.memref_slice %arg15[%mul3A_223] : memref<8192xf32, #tpu.memory_space<vmem>> -> memref<1024xf32, #tpu.memory_space<vmem>>
      tpu.enqueue_dma source(%dma_start3A_232 : memref<1024xf32, #tpu.memory_space<vmem>>) target(%dma_start3A_231 : memref<1024xf32, #tpu.memory_space<hbm>>) target_semaphore(%arg21 : memref<!tpu.dma_semaphore, #tpu.memory_space<semaphore_mem>>)
    }
    %scan3A_113 = arith.constant 8 : i32
    %scan3A_114 = arith.constant 0 : i32
    %scan3A_115 = arith.constant 1 : i32
    %scan3A_116 = arith.constant 23 : i32
    %scan3A_117 = arith.addi %scan3A_115, %scan3A_116 : i32
    %scan3A_118 = arith.constant 1 : i32
    scf.for %scan3A_206 = %scan3A_115 to %scan3A_117 step %scan3A_118  : i32 {
      %mul3A_207 = arith.constant 2 : i32
      %mul3A_208 = arith.muli %mul3A_207, %scan3A_206 : i32
      %add3A_209 = arith.constant 1 : i32
      %add3A_210 = arith.addi %mul3A_208, %add3A_209 : i32
      %dma_wait3A_211 = arith.constant 0 : i32
      %dma_wait3A_212 = arith.constant 0 : i32
      %dma_wait3A_213 = tpu.memref_slice %arg3[%dma_wait3A_211, %dma_wait3A_212] : memref<1000000x64xf32, #tpu.memory_space<hbm>> -> memref<128x64xf32, #tpu.memory_space<hbm>>
      %dma_wait3A_214 = arith.constant 0 : i32
      %dma_wait3A_215 = arith.constant 0 : i32
      %dma_wait3A_216 = tpu.memref_slice %arg3[%dma_wait3A_214, %dma_wait3A_215] : memref<1000000x64xf32, #tpu.memory_space<hbm>> -> memref<128x64xf32, #tpu.memory_space<hbm>>
      tpu.wait_dma2 semaphore(%arg16 : memref<!tpu.dma_semaphore, #tpu.memory_space<semaphore_mem>>) src(%dma_wait3A_216 : memref<128x64xf32, #tpu.memory_space<hbm>>) dst(%arg8 : memref<128x64xf32, #tpu.memory_space<vmem>>)
      %dma_wait3A_217 = arith.constant 0 : i32
      %dma_wait3A_218 = arith.constant 0 : i32
      %dma_wait3A_219 = tpu.memref_slice %arg4[%dma_wait3A_217, %dma_wait3A_218] : memref<1000000x64xf32, #tpu.memory_space<hbm>> -> memref<128x64xf32, #tpu.memory_space<hbm>>
      %dma_wait3A_220 = arith.constant 0 : i32
      %dma_wait3A_221 = arith.constant 0 : i32
      %dma_wait3A_222 = tpu.memref_slice %arg4[%dma_wait3A_220, %dma_wait3A_221] : memref<1000000x64xf32, #tpu.memory_space<hbm>> -> memref<128x64xf32, #tpu.memory_space<hbm>>
      tpu.wait_dma2 semaphore(%arg18 : memref<!tpu.dma_semaphore, #tpu.memory_space<semaphore_mem>>) src(%dma_wait3A_222 : memref<128x64xf32, #tpu.memory_space<hbm>>) dst(%arg10 : memref<128x64xf32, #tpu.memory_space<vmem>>)
      %dma_start3A_223 = arith.constant 0 : i32
      %dma_start3A_224 = tpu.memref_slice %arg7[%add3A_210, %dma_start3A_223] : memref<50x128xi32, #tpu.memory_space<vmem>> -> memref<1x128xi32, #tpu.memory_space<vmem>>
      %dma_start3A_225 = tpu.memref_squeeze %dma_start3A_224 : memref<1x128xi32, #tpu.memory_space<vmem>> -> memref<128xi32, #tpu.memory_space<vmem>>
      %dma_start3A_226 = arith.constant 0 : i32
      %dma_start3A_227 = arith.constant 0 : i32
      %dma_start3A_228 = tpu.memref_slice %arg3[%dma_start3A_226, %dma_start3A_227] : memref<1000000x64xf32, #tpu.memory_space<hbm>> -> memref<1000000x64xf32, #tpu.memory_space<hbm>>
      tpu.enqueue_indirect_dma source(%dma_start3A_228 : memref<1000000x64xf32, #tpu.memory_space<hbm>>) target(%arg9 : memref<128x64xf32, #tpu.memory_space<vmem>>) offsets(%dma_start3A_225 : memref<128xi32, #tpu.memory_space<vmem>>) semaphore(%arg17 : memref<!tpu.dma_semaphore, #tpu.memory_space<semaphore_mem>>)
      %dma_start3A_229 = arith.constant 0 : i32
      %dma_start3A_230 = tpu.memref_slice %arg7[%add3A_210, %dma_start3A_229] : memref<50x128xi32, #tpu.memory_space<vmem>> -> memref<1x128xi32, #tpu.memory_space<vmem>>
      %dma_start3A_231 = tpu.memref_squeeze %dma_start3A_230 : memref<1x128xi32, #tpu.memory_space<vmem>> -> memref<128xi32, #tpu.memory_space<vmem>>
      %dma_start3A_232 = arith.constant 0 : i32
      %dma_start3A_233 = arith.constant 0 : i32
      %dma_start3A_234 = tpu.memref_slice %arg4[%dma_start3A_232, %dma_start3A_233] : memref<1000000x64xf32, #tpu.memory_space<hbm>> -> memref<1000000x64xf32, #tpu.memory_space<hbm>>
      tpu.enqueue_indirect_dma source(%dma_start3A_234 : memref<1000000x64xf32, #tpu.memory_space<hbm>>) target(%arg11 : memref<128x64xf32, #tpu.memory_space<vmem>>) offsets(%dma_start3A_231 : memref<128xi32, #tpu.memory_space<vmem>>) semaphore(%arg19 : memref<!tpu.dma_semaphore, #tpu.memory_space<semaphore_mem>>)
      %scan3A_235 = arith.constant 0 : i32
      %scan3A_236 = arith.constant 0 : i32
      %scan3A_237 = arith.constant 8 : i32
      %scan3A_238 = arith.addi %scan3A_236, %scan3A_237 : i32
      %scan3A_239 = arith.constant 1 : i32
      scf.for %scan3A_299 = %scan3A_236 to %scan3A_238 step %scan3A_239  : i32 {
        %dma_wait3A_300 = arith.constant 0 : i32
        %dma_wait3A_301 = arith.constant 0 : i32
        %dma_wait3A_302 = arith.constant 0 : i32
        %dma_wait3A_303 = arith.constant 0 : i32
        %dma_wait3A_304 = tpu.memref_slice %arg12[%dma_wait3A_303] : memref<8192xf32, #tpu.memory_space<vmem>> -> memref<1024xf32, #tpu.memory_space<vmem>>
        %dma_wait3A_305 = arith.constant 0 : i32
        %dma_wait3A_306 = tpu.memref_slice %arg5[%dma_wait3A_300, %dma_wait3A_301, %dma_wait3A_302, %dma_wait3A_305] : memref<50x8x32x1024xf32, #tpu.memory_space<hbm>> -> memref<1x1x1x1024xf32, #tpu.memory_space<hbm>>
        %dma_wait3A_307 = tpu.memref_squeeze %dma_wait3A_306 : memref<1x1x1x1024xf32, #tpu.memory_space<hbm>> -> memref<1024xf32, #tpu.memory_space<hbm>>
        %dma_wait3A_308 = arith.constant 0 : i32
        %dma_wait3A_309 = tpu.memref_slice %arg5[%dma_wait3A_300, %dma_wait3A_301, %dma_wait3A_302, %dma_wait3A_308] : memref<50x8x32x1024xf32, #tpu.memory_space<hbm>> -> memref<1x1x1x1024xf32, #tpu.memory_space<hbm>>
        %dma_wait3A_310 = tpu.memref_squeeze %dma_wait3A_309 : memref<1x1x1x1024xf32, #tpu.memory_space<hbm>> -> memref<1024xf32, #tpu.memory_space<hbm>>
        %dma_wait3A_311 = arith.constant 0 : i32
        %dma_wait3A_312 = tpu.memref_slice %arg12[%dma_wait3A_311] : memref<8192xf32, #tpu.memory_space<vmem>> -> memref<1024xf32, #tpu.memory_space<vmem>>
        tpu.wait_dma2 semaphore(%arg20 : memref<!tpu.dma_semaphore, #tpu.memory_space<semaphore_mem>>) src(%dma_wait3A_312 : memref<1024xf32, #tpu.memory_space<vmem>>) dst(%dma_wait3A_310 : memref<1024xf32, #tpu.memory_space<hbm>>)
        %dma_wait3A_313 = arith.constant 0 : i32
        %dma_wait3A_314 = arith.constant 0 : i32
        %dma_wait3A_315 = arith.constant 0 : i32
        %dma_wait3A_316 = arith.constant 0 : i32
        %dma_wait3A_317 = tpu.memref_slice %arg14[%dma_wait3A_316] : memref<8192xf32, #tpu.memory_space<vmem>> -> memref<1024xf32, #tpu.memory_space<vmem>>
        %dma_wait3A_318 = arith.constant 0 : i32
        %dma_wait3A_319 = tpu.memref_slice %arg6[%dma_wait3A_313, %dma_wait3A_314, %dma_wait3A_315, %dma_wait3A_318] : memref<50x8x32x1024xf32, #tpu.memory_space<hbm>> -> memref<1x1x1x1024xf32, #tpu.memory_space<hbm>>
        %dma_wait3A_320 = tpu.memref_squeeze %dma_wait3A_319 : memref<1x1x1x1024xf32, #tpu.memory_space<hbm>> -> memref<1024xf32, #tpu.memory_space<hbm>>
        %dma_wait3A_321 = arith.constant 0 : i32
        %dma_wait3A_322 = tpu.memref_slice %arg6[%dma_wait3A_313, %dma_wait3A_314, %dma_wait3A_315, %dma_wait3A_321] : memref<50x8x32x1024xf32, #tpu.memory_space<hbm>> -> memref<1x1x1x1024xf32, #tpu.memory_space<hbm>>
        %dma_wait3A_323 = tpu.memref_squeeze %dma_wait3A_322 : memref<1x1x1x1024xf32, #tpu.memory_space<hbm>> -> memref<1024xf32, #tpu.memory_space<hbm>>
        %dma_wait3A_324 = arith.constant 0 : i32
        %dma_wait3A_325 = tpu.memref_slice %arg14[%dma_wait3A_324] : memref<8192xf32, #tpu.memory_space<vmem>> -> memref<1024xf32, #tpu.memory_space<vmem>>
        tpu.wait_dma2 semaphore(%arg20 : memref<!tpu.dma_semaphore, #tpu.memory_space<semaphore_mem>>) src(%dma_wait3A_325 : memref<1024xf32, #tpu.memory_space<vmem>>) dst(%dma_wait3A_323 : memref<1024xf32, #tpu.memory_space<hbm>>)
      }
      %scan3A_240 = arith.constant 8 : i32
      %scan3A_241 = arith.constant 0 : i32
      %scan3A_242 = arith.constant 0 : i32
      %scan3A_243 = arith.constant 128 : i32
      %scan3A_244 = arith.addi %scan3A_242, %scan3A_243 : i32
      %scan3A_245 = arith.constant 1 : i32
      scf.for %scan3A_299 = %scan3A_242 to %scan3A_244 step %scan3A_245  : i32 {
        %add3A_300 = vector.broadcast %scan3A_299 : i32 to vector<16xi32>
        %add3A_301 = arith.addi %mul3A_6, %add3A_300 : vector<16xi32>
        %get3A = arith.index_cast %scan3A_299 : i32 to index
        %get3A_302 = arith.constant 0 : index
        %get3A_303 = tpu.vector_load %arg8[%get3A, %get3A_302] {strides = array<i32>} : memref<128x64xf32, #tpu.memory_space<vmem>>, vector<16xf32>,
        tpu.vector_store_idx %arg12[%add3A_301], %get3A_303 : memref<8192xf32, #tpu.memory_space<vmem>>[vector<16xi32>], vector<16xf32>,
        %get3A_304 = arith.index_cast %scan3A_299 : i32 to index
        %get3A_305 = arith.constant 0 : index
        %get3A_306 = tpu.vector_load %arg10[%get3A_304, %get3A_305] {strides = array<i32>} : memref<128x64xf32, #tpu.memory_space<vmem>>, vector<16xf32>,
        tpu.vector_store_idx %arg14[%add3A_301], %get3A_306 : memref<8192xf32, #tpu.memory_space<vmem>>[vector<16xi32>], vector<16xf32>,
        %add3A_307 = vector.broadcast %scan3A_299 : i32 to vector<16xi32>
        %add3A_308 = arith.addi %mul3A_12, %add3A_307 : vector<16xi32>
        %get3A_309 = arith.index_cast %scan3A_299 : i32 to index
        %get3A_310 = arith.constant 16 : index
        %get3A_311 = tpu.vector_load %arg8[%get3A_309, %get3A_310] {strides = array<i32>} : memref<128x64xf32, #tpu.memory_space<vmem>>, vector<16xf32>,
        tpu.vector_store_idx %arg12[%add3A_308], %get3A_311 : memref<8192xf32, #tpu.memory_space<vmem>>[vector<16xi32>], vector<16xf32>,
        %get3A_312 = arith.index_cast %scan3A_299 : i32 to index
        %get3A_313 = arith.constant 16 : index
        %get3A_314 = tpu.vector_load %arg10[%get3A_312, %get3A_313] {strides = array<i32>} : memref<128x64xf32, #tpu.memory_space<vmem>>, vector<16xf32>,
        tpu.vector_store_idx %arg14[%add3A_308], %get3A_314 : memref<8192xf32, #tpu.memory_space<vmem>>[vector<16xi32>], vector<16xf32>,
        %add3A_315 = vector.broadcast %scan3A_299 : i32 to vector<16xi32>
        %add3A_316 = arith.addi %mul3A_18, %add3A_315 : vector<16xi32>
        %get3A_317 = arith.index_cast %scan3A_299 : i32 to index
        %get3A_318 = arith.constant 32 : index
        %get3A_319 = tpu.vector_load %arg8[%get3A_317, %get3A_318] {strides = array<i32>} : memref<128x64xf32, #tpu.memory_space<vmem>>, vector<16xf32>,
        tpu.vector_store_idx %arg12[%add3A_316], %get3A_319 : memref<8192xf32, #tpu.memory_space<vmem>>[vector<16xi32>], vector<16xf32>,
        %get3A_320 = arith.index_cast %scan3A_299 : i32 to index
        %get3A_321 = arith.constant 32 : index
        %get3A_322 = tpu.vector_load %arg10[%get3A_320, %get3A_321] {strides = array<i32>} : memref<128x64xf32, #tpu.memory_space<vmem>>, vector<16xf32>,
        tpu.vector_store_idx %arg14[%add3A_316], %get3A_322 : memref<8192xf32, #tpu.memory_space<vmem>>[vector<16xi32>], vector<16xf32>,
        %add3A_323 = vector.broadcast %scan3A_299 : i32 to vector<16xi32>
        %add3A_324 = arith.addi %mul3A_24, %add3A_323 : vector<16xi32>
        %get3A_325 = arith.index_cast %scan3A_299 : i32 to index
        %get3A_326 = arith.constant 48 : index
        %get3A_327 = tpu.vector_load %arg8[%get3A_325, %get3A_326] {strides = array<i32>} : memref<128x64xf32, #tpu.memory_space<vmem>>, vector<16xf32>,
        tpu.vector_store_idx %arg12[%add3A_324], %get3A_327 : memref<8192xf32, #tpu.memory_space<vmem>>[vector<16xi32>], vector<16xf32>,
        %get3A_328 = arith.index_cast %scan3A_299 : i32 to index
        %get3A_329 = arith.constant 48 : index
        %get3A_330 = tpu.vector_load %arg10[%get3A_328, %get3A_329] {strides = array<i32>} : memref<128x64xf32, #tpu.memory_space<vmem>>, vector<16xf32>,
        tpu.vector_store_idx %arg14[%add3A_324], %get3A_330 : memref<8192xf32, #tpu.memory_space<vmem>>[vector<16xi32>], vector<16xf32>,
      }
      %scan3A_246 = arith.constant 128 : i32
      %scan3A_247 = arith.constant 0 : i32
      %scan3A_248 = arith.constant 0 : i32
      %scan3A_249 = arith.constant 8 : i32
      %scan3A_250 = arith.addi %scan3A_248, %scan3A_249 : i32
      %scan3A_251 = arith.constant 1 : i32
      scf.for %scan3A_299 = %scan3A_248 to %scan3A_250 step %scan3A_251  : i32 {
        %mul3A_300 = arith.constant 8 : i32
        %mul3A_301 = arith.muli %scan3A_299, %mul3A_300 : i32
        %mul3A_302 = arith.constant 128 : i32
        %mul3A_303 = arith.muli %mul3A_301, %mul3A_302 : i32
        %dma_start3A_304 = tpu.memref_slice %arg12[%mul3A_303] : memref<8192xf32, #tpu.memory_space<vmem>> -> memref<1024xf32, #tpu.memory_space<vmem>>
        %dma_start3A_305 = arith.constant 0 : i32
        %dma_start3A_306 = tpu.memref_slice %arg5[%mul3A_208, %scan3A_299, %add3A, %dma_start3A_305] : memref<50x8x32x1024xf32, #tpu.memory_space<hbm>> -> memref<1x1x1x1024xf32, #tpu.memory_space<hbm>>
        %dma_start3A_307 = tpu.memref_squeeze %dma_start3A_306 : memref<1x1x1x1024xf32, #tpu.memory_space<hbm>> -> memref<1024xf32, #tpu.memory_space<hbm>>
        %dma_start3A_308 = arith.constant 0 : i32
        %dma_start3A_309 = tpu.memref_slice %arg5[%mul3A_208, %scan3A_299, %add3A, %dma_start3A_308] : memref<50x8x32x1024xf32, #tpu.memory_space<hbm>> -> memref<1x1x1x1024xf32, #tpu.memory_space<hbm>>
        %dma_start3A_310 = tpu.memref_squeeze %dma_start3A_309 : memref<1x1x1x1024xf32, #tpu.memory_space<hbm>> -> memref<1024xf32, #tpu.memory_space<hbm>>
        %dma_start3A_311 = tpu.memref_slice %arg12[%mul3A_303] : memref<8192xf32, #tpu.memory_space<vmem>> -> memref<1024xf32, #tpu.memory_space<vmem>>
        tpu.enqueue_dma source(%dma_start3A_311 : memref<1024xf32, #tpu.memory_space<vmem>>) target(%dma_start3A_310 : memref<1024xf32, #tpu.memory_space<hbm>>) target_semaphore(%arg20 : memref<!tpu.dma_semaphore, #tpu.memory_space<semaphore_mem>>)
        %mul3A_312 = arith.constant 8 : i32
        %mul3A_313 = arith.muli %scan3A_299, %mul3A_312 : i32
        %mul3A_314 = arith.constant 128 : i32
        %mul3A_315 = arith.muli %mul3A_313, %mul3A_314 : i32
        %dma_start3A_316 = tpu.memref_slice %arg14[%mul3A_315] : memref<8192xf32, #tpu.memory_space<vmem>> -> memref<1024xf32, #tpu.memory_space<vmem>>
        %dma_start3A_317 = arith.constant 0 : i32
        %dma_start3A_318 = tpu.memref_slice %arg6[%mul3A_208, %scan3A_299, %add3A, %dma_start3A_317] : memref<50x8x32x1024xf32, #tpu.memory_space<hbm>> -> memref<1x1x1x1024xf32, #tpu.memory_space<hbm>>
        %dma_start3A_319 = tpu.memref_squeeze %dma_start3A_318 : memref<1x1x1x1024xf32, #tpu.memory_space<hbm>> -> memref<1024xf32, #tpu.memory_space<hbm>>
        %dma_start3A_320 = arith.constant 0 : i32
        %dma_start3A_321 = tpu.memref_slice %arg6[%mul3A_208, %scan3A_299, %add3A, %dma_start3A_320] : memref<50x8x32x1024xf32, #tpu.memory_space<hbm>> -> memref<1x1x1x1024xf32, #tpu.memory_space<hbm>>
        %dma_start3A_322 = tpu.memref_squeeze %dma_start3A_321 : memref<1x1x1x1024xf32, #tpu.memory_space<hbm>> -> memref<1024xf32, #tpu.memory_space<hbm>>
        %dma_start3A_323 = tpu.memref_slice %arg14[%mul3A_315] : memref<8192xf32, #tpu.memory_space<vmem>> -> memref<1024xf32, #tpu.memory_space<vmem>>
        tpu.enqueue_dma source(%dma_start3A_323 : memref<1024xf32, #tpu.memory_space<vmem>>) target(%dma_start3A_322 : memref<1024xf32, #tpu.memory_space<hbm>>) target_semaphore(%arg20 : memref<!tpu.dma_semaphore, #tpu.memory_space<semaphore_mem>>)
      }
      %scan3A_252 = arith.constant 8 : i32
      %add3A_253 = arith.constant 1 : i32
      %add3A_254 = arith.addi %mul3A_208, %add3A_253 : i32
      %add3A_255 = arith.constant 2 : i32
      %add3A_256 = arith.addi %mul3A_208, %add3A_255 : i32
      %dma_wait3A_257 = arith.constant 0 : i32
      %dma_wait3A_258 = arith.constant 0 : i32
      %dma_wait3A_259 = tpu.memref_slice %arg3[%dma_wait3A_257, %dma_wait3A_258] : memref<1000000x64xf32, #tpu.memory_space<hbm>> -> memref<128x64xf32, #tpu.memory_space<hbm>>
      %dma_wait3A_260 = arith.constant 0 : i32
      %dma_wait3A_261 = arith.constant 0 : i32
      %dma_wait3A_262 = tpu.memref_slice %arg3[%dma_wait3A_260, %dma_wait3A_261] : memref<1000000x64xf32, #tpu.memory_space<hbm>> -> memref<128x64xf32, #tpu.memory_space<hbm>>
      tpu.wait_dma2 semaphore(%arg17 : memref<!tpu.dma_semaphore, #tpu.memory_space<semaphore_mem>>) src(%dma_wait3A_262 : memref<128x64xf32, #tpu.memory_space<hbm>>) dst(%arg9 : memref<128x64xf32, #tpu.memory_space<vmem>>)
      %dma_wait3A_263 = arith.constant 0 : i32
      %dma_wait3A_264 = arith.constant 0 : i32
      %dma_wait3A_265 = tpu.memref_slice %arg4[%dma_wait3A_263, %dma_wait3A_264] : memref<1000000x64xf32, #tpu.memory_space<hbm>> -> memref<128x64xf32, #tpu.memory_space<hbm>>
      %dma_wait3A_266 = arith.constant 0 : i32
      %dma_wait3A_267 = arith.constant 0 : i32
      %dma_wait3A_268 = tpu.memref_slice %arg4[%dma_wait3A_266, %dma_wait3A_267] : memref<1000000x64xf32, #tpu.memory_space<hbm>> -> memref<128x64xf32, #tpu.memory_space<hbm>>
      tpu.wait_dma2 semaphore(%arg19 : memref<!tpu.dma_semaphore, #tpu.memory_space<semaphore_mem>>) src(%dma_wait3A_268 : memref<128x64xf32, #tpu.memory_space<hbm>>) dst(%arg11 : memref<128x64xf32, #tpu.memory_space<vmem>>)
      %dma_start3A_269 = arith.constant 0 : i32
      %dma_start3A_270 = tpu.memref_slice %arg7[%add3A_256, %dma_start3A_269] : memref<50x128xi32, #tpu.memory_space<vmem>> -> memref<1x128xi32, #tpu.memory_space<vmem>>
      %dma_start3A_271 = tpu.memref_squeeze %dma_start3A_270 : memref<1x128xi32, #tpu.memory_space<vmem>> -> memref<128xi32, #tpu.memory_space<vmem>>
      %dma_start3A_272 = arith.constant 0 : i32
      %dma_start3A_273 = arith.constant 0 : i32
      %dma_start3A_274 = tpu.memref_slice %arg3[%dma_start3A_272, %dma_start3A_273] : memref<1000000x64xf32, #tpu.memory_space<hbm>> -> memref<1000000x64xf32, #tpu.memory_space<hbm>>
      tpu.enqueue_indirect_dma source(%dma_start3A_274 : memref<1000000x64xf32, #tpu.memory_space<hbm>>) target(%arg8 : memref<128x64xf32, #tpu.memory_space<vmem>>) offsets(%dma_start3A_271 : memref<128xi32, #tpu.memory_space<vmem>>) semaphore(%arg16 : memref<!tpu.dma_semaphore, #tpu.memory_space<semaphore_mem>>)
      %dma_start3A_275 = arith.constant 0 : i32
      %dma_start3A_276 = tpu.memref_slice %arg7[%add3A_256, %dma_start3A_275] : memref<50x128xi32, #tpu.memory_space<vmem>> -> memref<1x128xi32, #tpu.memory_space<vmem>>
      %dma_start3A_277 = tpu.memref_squeeze %dma_start3A_276 : memref<1x128xi32, #tpu.memory_space<vmem>> -> memref<128xi32, #tpu.memory_space<vmem>>
      %dma_start3A_278 = arith.constant 0 : i32
      %dma_start3A_279 = arith.constant 0 : i32
      %dma_start3A_280 = tpu.memref_slice %arg4[%dma_start3A_278, %dma_start3A_279] : memref<1000000x64xf32, #tpu.memory_space<hbm>> -> memref<1000000x64xf32, #tpu.memory_space<hbm>>
      tpu.enqueue_indirect_dma source(%dma_start3A_280 : memref<1000000x64xf32, #tpu.memory_space<hbm>>) target(%arg10 : memref<128x64xf32, #tpu.memory_space<vmem>>) offsets(%dma_start3A_277 : memref<128xi32, #tpu.memory_space<vmem>>) semaphore(%arg18 : memref<!tpu.dma_semaphore, #tpu.memory_space<semaphore_mem>>)
      %scan3A_281 = arith.constant 0 : i32
      %scan3A_282 = arith.constant 0 : i32
      %scan3A_283 = arith.constant 8 : i32
      %scan3A_284 = arith.addi %scan3A_282, %scan3A_283 : i32
      %scan3A_285 = arith.constant 1 : i32
      scf.for %scan3A_299 = %scan3A_282 to %scan3A_284 step %scan3A_285  : i32 {
        %dma_wait3A_300 = arith.constant 0 : i32
        %dma_wait3A_301 = arith.constant 0 : i32
        %dma_wait3A_302 = arith.constant 0 : i32
        %dma_wait3A_303 = arith.constant 0 : i32
        %dma_wait3A_304 = tpu.memref_slice %arg13[%dma_wait3A_303] : memref<8192xf32, #tpu.memory_space<vmem>> -> memref<1024xf32, #tpu.memory_space<vmem>>
        %dma_wait3A_305 = arith.constant 0 : i32
        %dma_wait3A_306 = tpu.memref_slice %arg5[%dma_wait3A_300, %dma_wait3A_301, %dma_wait3A_302, %dma_wait3A_305] : memref<50x8x32x1024xf32, #tpu.memory_space<hbm>> -> memref<1x1x1x1024xf32, #tpu.memory_space<hbm>>
        %dma_wait3A_307 = tpu.memref_squeeze %dma_wait3A_306 : memref<1x1x1x1024xf32, #tpu.memory_space<hbm>> -> memref<1024xf32, #tpu.memory_space<hbm>>
        %dma_wait3A_308 = arith.constant 0 : i32
        %dma_wait3A_309 = tpu.memref_slice %arg5[%dma_wait3A_300, %dma_wait3A_301, %dma_wait3A_302, %dma_wait3A_308] : memref<50x8x32x1024xf32, #tpu.memory_space<hbm>> -> memref<1x1x1x1024xf32, #tpu.memory_space<hbm>>
        %dma_wait3A_310 = tpu.memref_squeeze %dma_wait3A_309 : memref<1x1x1x1024xf32, #tpu.memory_space<hbm>> -> memref<1024xf32, #tpu.memory_space<hbm>>
        %dma_wait3A_311 = arith.constant 0 : i32
        %dma_wait3A_312 = tpu.memref_slice %arg13[%dma_wait3A_311] : memref<8192xf32, #tpu.memory_space<vmem>> -> memref<1024xf32, #tpu.memory_space<vmem>>
        tpu.wait_dma2 semaphore(%arg21 : memref<!tpu.dma_semaphore, #tpu.memory_space<semaphore_mem>>) src(%dma_wait3A_312 : memref<1024xf32, #tpu.memory_space<vmem>>) dst(%dma_wait3A_310 : memref<1024xf32, #tpu.memory_space<hbm>>)
        %dma_wait3A_313 = arith.constant 0 : i32
        %dma_wait3A_314 = arith.constant 0 : i32
        %dma_wait3A_315 = arith.constant 0 : i32
        %dma_wait3A_316 = arith.constant 0 : i32
        %dma_wait3A_317 = tpu.memref_slice %arg15[%dma_wait3A_316] : memref<8192xf32, #tpu.memory_space<vmem>> -> memref<1024xf32, #tpu.memory_space<vmem>>
        %dma_wait3A_318 = arith.constant 0 : i32
        %dma_wait3A_319 = tpu.memref_slice %arg6[%dma_wait3A_313, %dma_wait3A_314, %dma_wait3A_315, %dma_wait3A_318] : memref<50x8x32x1024xf32, #tpu.memory_space<hbm>> -> memref<1x1x1x1024xf32, #tpu.memory_space<hbm>>
        %dma_wait3A_320 = tpu.memref_squeeze %dma_wait3A_319 : memref<1x1x1x1024xf32, #tpu.memory_space<hbm>> -> memref<1024xf32, #tpu.memory_space<hbm>>
        %dma_wait3A_321 = arith.constant 0 : i32
        %dma_wait3A_322 = tpu.memref_slice %arg6[%dma_wait3A_313, %dma_wait3A_314, %dma_wait3A_315, %dma_wait3A_321] : memref<50x8x32x1024xf32, #tpu.memory_space<hbm>> -> memref<1x1x1x1024xf32, #tpu.memory_space<hbm>>
        %dma_wait3A_323 = tpu.memref_squeeze %dma_wait3A_322 : memref<1x1x1x1024xf32, #tpu.memory_space<hbm>> -> memref<1024xf32, #tpu.memory_space<hbm>>
        %dma_wait3A_324 = arith.constant 0 : i32
        %dma_wait3A_325 = tpu.memref_slice %arg15[%dma_wait3A_324] : memref<8192xf32, #tpu.memory_space<vmem>> -> memref<1024xf32, #tpu.memory_space<vmem>>
        tpu.wait_dma2 semaphore(%arg21 : memref<!tpu.dma_semaphore, #tpu.memory_space<semaphore_mem>>) src(%dma_wait3A_325 : memref<1024xf32, #tpu.memory_space<vmem>>) dst(%dma_wait3A_323 : memref<1024xf32, #tpu.memory_space<hbm>>)
      }
      %scan3A_286 = arith.constant 8 : i32
      %scan3A_287 = arith.constant 0 : i32
      %scan3A_288 = arith.constant 0 : i32
      %scan3A_289 = arith.constant 128 : i32
      %scan3A_290 = arith.addi %scan3A_288, %scan3A_289 : i32
      %scan3A_291 = arith.constant 1 : i32
      scf.for %scan3A_299 = %scan3A_288 to %scan3A_290 step %scan3A_291  : i32 {
        %add3A_300 = vector.broadcast %scan3A_299 : i32 to vector<16xi32>
        %add3A_301 = arith.addi %mul3A_6, %add3A_300 : vector<16xi32>
        %get3A = arith.index_cast %scan3A_299 : i32 to index
        %get3A_302 = arith.constant 0 : index
        %get3A_303 = tpu.vector_load %arg9[%get3A, %get3A_302] {strides = array<i32>} : memref<128x64xf32, #tpu.memory_space<vmem>>, vector<16xf32>,
        tpu.vector_store_idx %arg13[%add3A_301], %get3A_303 : memref<8192xf32, #tpu.memory_space<vmem>>[vector<16xi32>], vector<16xf32>,
        %get3A_304 = arith.index_cast %scan3A_299 : i32 to index
        %get3A_305 = arith.constant 0 : index
        %get3A_306 = tpu.vector_load %arg11[%get3A_304, %get3A_305] {strides = array<i32>} : memref<128x64xf32, #tpu.memory_space<vmem>>, vector<16xf32>,
        tpu.vector_store_idx %arg15[%add3A_301], %get3A_306 : memref<8192xf32, #tpu.memory_space<vmem>>[vector<16xi32>], vector<16xf32>,
        %add3A_307 = vector.broadcast %scan3A_299 : i32 to vector<16xi32>
        %add3A_308 = arith.addi %mul3A_12, %add3A_307 : vector<16xi32>
        %get3A_309 = arith.index_cast %scan3A_299 : i32 to index
        %get3A_310 = arith.constant 16 : index
        %get3A_311 = tpu.vector_load %arg9[%get3A_309, %get3A_310] {strides = array<i32>} : memref<128x64xf32, #tpu.memory_space<vmem>>, vector<16xf32>,
        tpu.vector_store_idx %arg13[%add3A_308], %get3A_311 : memref<8192xf32, #tpu.memory_space<vmem>>[vector<16xi32>], vector<16xf32>,
        %get3A_312 = arith.index_cast %scan3A_299 : i32 to index
        %get3A_313 = arith.constant 16 : index
        %get3A_314 = tpu.vector_load %arg11[%get3A_312, %get3A_313] {strides = array<i32>} : memref<128x64xf32, #tpu.memory_space<vmem>>, vector<16xf32>,
        tpu.vector_store_idx %arg15[%add3A_308], %get3A_314 : memref<8192xf32, #tpu.memory_space<vmem>>[vector<16xi32>], vector<16xf32>,
        %add3A_315 = vector.broadcast %scan3A_299 : i32 to vector<16xi32>
        %add3A_316 = arith.addi %mul3A_18, %add3A_315 : vector<16xi32>
        %get3A_317 = arith.index_cast %scan3A_299 : i32 to index
        %get3A_318 = arith.constant 32 : index
        %get3A_319 = tpu.vector_load %arg9[%get3A_317, %get3A_318] {strides = array<i32>} : memref<128x64xf32, #tpu.memory_space<vmem>>, vector<16xf32>,
        tpu.vector_store_idx %arg13[%add3A_316], %get3A_319 : memref<8192xf32, #tpu.memory_space<vmem>>[vector<16xi32>], vector<16xf32>,
        %get3A_320 = arith.index_cast %scan3A_299 : i32 to index
        %get3A_321 = arith.constant 32 : index
        %get3A_322 = tpu.vector_load %arg11[%get3A_320, %get3A_321] {strides = array<i32>} : memref<128x64xf32, #tpu.memory_space<vmem>>, vector<16xf32>,
        tpu.vector_store_idx %arg15[%add3A_316], %get3A_322 : memref<8192xf32, #tpu.memory_space<vmem>>[vector<16xi32>], vector<16xf32>,
        %add3A_323 = vector.broadcast %scan3A_299 : i32 to vector<16xi32>
        %add3A_324 = arith.addi %mul3A_24, %add3A_323 : vector<16xi32>
        %get3A_325 = arith.index_cast %scan3A_299 : i32 to index
        %get3A_326 = arith.constant 48 : index
        %get3A_327 = tpu.vector_load %arg9[%get3A_325, %get3A_326] {strides = array<i32>} : memref<128x64xf32, #tpu.memory_space<vmem>>, vector<16xf32>,
        tpu.vector_store_idx %arg13[%add3A_324], %get3A_327 : memref<8192xf32, #tpu.memory_space<vmem>>[vector<16xi32>], vector<16xf32>,
        %get3A_328 = arith.index_cast %scan3A_299 : i32 to index
        %get3A_329 = arith.constant 48 : index
        %get3A_330 = tpu.vector_load %arg11[%get3A_328, %get3A_329] {strides = array<i32>} : memref<128x64xf32, #tpu.memory_space<vmem>>, vector<16xf32>,
        tpu.vector_store_idx %arg15[%add3A_324], %get3A_330 : memref<8192xf32, #tpu.memory_space<vmem>>[vector<16xi32>], vector<16xf32>,
      }
      %scan3A_292 = arith.constant 128 : i32
      %scan3A_293 = arith.constant 0 : i32
      %scan3A_294 = arith.constant 0 : i32
      %scan3A_295 = arith.constant 8 : i32
      %scan3A_296 = arith.addi %scan3A_294, %scan3A_295 : i32
      %scan3A_297 = arith.constant 1 : i32
      scf.for %scan3A_299 = %scan3A_294 to %scan3A_296 step %scan3A_297  : i32 {
        %mul3A_300 = arith.constant 8 : i32
        %mul3A_301 = arith.muli %scan3A_299, %mul3A_300 : i32
        %mul3A_302 = arith.constant 128 : i32
        %mul3A_303 = arith.muli %mul3A_301, %mul3A_302 : i32
        %dma_start3A_304 = tpu.memref_slice %arg13[%mul3A_303] : memref<8192xf32, #tpu.memory_space<vmem>> -> memref<1024xf32, #tpu.memory_space<vmem>>
        %dma_start3A_305 = arith.constant 0 : i32
        %dma_start3A_306 = tpu.memref_slice %arg5[%add3A_254, %scan3A_299, %add3A, %dma_start3A_305] : memref<50x8x32x1024xf32, #tpu.memory_space<hbm>> -> memref<1x1x1x1024xf32, #tpu.memory_space<hbm>>
        %dma_start3A_307 = tpu.memref_squeeze %dma_start3A_306 : memref<1x1x1x1024xf32, #tpu.memory_space<hbm>> -> memref<1024xf32, #tpu.memory_space<hbm>>
        %dma_start3A_308 = arith.constant 0 : i32
        %dma_start3A_309 = tpu.memref_slice %arg5[%add3A_254, %scan3A_299, %add3A, %dma_start3A_308] : memref<50x8x32x1024xf32, #tpu.memory_space<hbm>> -> memref<1x1x1x1024xf32, #tpu.memory_space<hbm>>
        %dma_start3A_310 = tpu.memref_squeeze %dma_start3A_309 : memref<1x1x1x1024xf32, #tpu.memory_space<hbm>> -> memref<1024xf32, #tpu.memory_space<hbm>>
        %dma_start3A_311 = tpu.memref_slice %arg13[%mul3A_303] : memref<8192xf32, #tpu.memory_space<vmem>> -> memref<1024xf32, #tpu.memory_space<vmem>>
        tpu.enqueue_dma source(%dma_start3A_311 : memref<1024xf32, #tpu.memory_space<vmem>>) target(%dma_start3A_310 : memref<1024xf32, #tpu.memory_space<hbm>>) target_semaphore(%arg21 : memref<!tpu.dma_semaphore, #tpu.memory_space<semaphore_mem>>)
        %mul3A_312 = arith.constant 8 : i32
        %mul3A_313 = arith.muli %scan3A_299, %mul3A_312 : i32
        %mul3A_314 = arith.constant 128 : i32
        %mul3A_315 = arith.muli %mul3A_313, %mul3A_314 : i32
        %dma_start3A_316 = tpu.memref_slice %arg15[%mul3A_315] : memref<8192xf32, #tpu.memory_space<vmem>> -> memref<1024xf32, #tpu.memory_space<vmem>>
        %dma_start3A_317 = arith.constant 0 : i32
        %dma_start3A_318 = tpu.memref_slice %arg6[%add3A_254, %scan3A_299, %add3A, %dma_start3A_317] : memref<50x8x32x1024xf32, #tpu.memory_space<hbm>> -> memref<1x1x1x1024xf32, #tpu.memory_space<hbm>>
        %dma_start3A_319 = tpu.memref_squeeze %dma_start3A_318 : memref<1x1x1x1024xf32, #tpu.memory_space<hbm>> -> memref<1024xf32, #tpu.memory_space<hbm>>
        %dma_start3A_320 = arith.constant 0 : i32
        %dma_start3A_321 = tpu.memref_slice %arg6[%add3A_254, %scan3A_299, %add3A, %dma_start3A_320] : memref<50x8x32x1024xf32, #tpu.memory_space<hbm>> -> memref<1x1x1x1024xf32, #tpu.memory_space<hbm>>
        %dma_start3A_322 = tpu.memref_squeeze %dma_start3A_321 : memref<1x1x1x1024xf32, #tpu.memory_space<hbm>> -> memref<1024xf32, #tpu.memory_space<hbm>>
        %dma_start3A_323 = tpu.memref_slice %arg15[%mul3A_315] : memref<8192xf32, #tpu.memory_space<vmem>> -> memref<1024xf32, #tpu.memory_space<vmem>>
        tpu.enqueue_dma source(%dma_start3A_323 : memref<1024xf32, #tpu.memory_space<vmem>>) target(%dma_start3A_322 : memref<1024xf32, #tpu.memory_space<hbm>>) target_semaphore(%arg21 : memref<!tpu.dma_semaphore, #tpu.memory_space<semaphore_mem>>)
      }
      %scan3A_298 = arith.constant 8 : i32
    }
    %scan3A_119 = arith.constant 23 : i32
    %dma_wait3A_120 = arith.constant 0 : i32
    %dma_wait3A_121 = arith.constant 0 : i32
    %dma_wait3A_122 = tpu.memref_slice %arg3[%dma_wait3A_120, %dma_wait3A_121] : memref<1000000x64xf32, #tpu.memory_space<hbm>> -> memref<128x64xf32, #tpu.memory_space<hbm>>
    %dma_wait3A_123 = arith.constant 0 : i32
    %dma_wait3A_124 = arith.constant 0 : i32
    %dma_wait3A_125 = tpu.memref_slice %arg3[%dma_wait3A_123, %dma_wait3A_124] : memref<1000000x64xf32, #tpu.memory_space<hbm>> -> memref<128x64xf32, #tpu.memory_space<hbm>>
    tpu.wait_dma2 semaphore(%arg16 : memref<!tpu.dma_semaphore, #tpu.memory_space<semaphore_mem>>) src(%dma_wait3A_125 : memref<128x64xf32, #tpu.memory_space<hbm>>) dst(%arg8 : memref<128x64xf32, #tpu.memory_space<vmem>>)
    %dma_wait3A_126 = arith.constant 0 : i32
    %dma_wait3A_127 = arith.constant 0 : i32
    %dma_wait3A_128 = tpu.memref_slice %arg4[%dma_wait3A_126, %dma_wait3A_127] : memref<1000000x64xf32, #tpu.memory_space<hbm>> -> memref<128x64xf32, #tpu.memory_space<hbm>>
    %dma_wait3A_129 = arith.constant 0 : i32
    %dma_wait3A_130 = arith.constant 0 : i32
    %dma_wait3A_131 = tpu.memref_slice %arg4[%dma_wait3A_129, %dma_wait3A_130] : memref<1000000x64xf32, #tpu.memory_space<hbm>> -> memref<128x64xf32, #tpu.memory_space<hbm>>
    tpu.wait_dma2 semaphore(%arg18 : memref<!tpu.dma_semaphore, #tpu.memory_space<semaphore_mem>>) src(%dma_wait3A_131 : memref<128x64xf32, #tpu.memory_space<hbm>>) dst(%arg10 : memref<128x64xf32, #tpu.memory_space<vmem>>)
    %dma_start3A_132 = arith.constant 49 : i32
    %dma_start3A_133 = arith.constant 0 : i32
    %dma_start3A_134 = tpu.memref_slice %arg7[%dma_start3A_132, %dma_start3A_133] : memref<50x128xi32, #tpu.memory_space<vmem>> -> memref<1x128xi32, #tpu.memory_space<vmem>>
    %dma_start3A_135 = tpu.memref_squeeze %dma_start3A_134 : memref<1x128xi32, #tpu.memory_space<vmem>> -> memref<128xi32, #tpu.memory_space<vmem>>
    %dma_start3A_136 = arith.constant 0 : i32
    %dma_start3A_137 = arith.constant 0 : i32
    %dma_start3A_138 = tpu.memref_slice %arg3[%dma_start3A_136, %dma_start3A_137] : memref<1000000x64xf32, #tpu.memory_space<hbm>> -> memref<1000000x64xf32, #tpu.memory_space<hbm>>
    tpu.enqueue_indirect_dma source(%dma_start3A_138 : memref<1000000x64xf32, #tpu.memory_space<hbm>>) target(%arg9 : memref<128x64xf32, #tpu.memory_space<vmem>>) offsets(%dma_start3A_135 : memref<128xi32, #tpu.memory_space<vmem>>) semaphore(%arg17 : memref<!tpu.dma_semaphore, #tpu.memory_space<semaphore_mem>>)
    %dma_start3A_139 = arith.constant 49 : i32
    %dma_start3A_140 = arith.constant 0 : i32
    %dma_start3A_141 = tpu.memref_slice %arg7[%dma_start3A_139, %dma_start3A_140] : memref<50x128xi32, #tpu.memory_space<vmem>> -> memref<1x128xi32, #tpu.memory_space<vmem>>
    %dma_start3A_142 = tpu.memref_squeeze %dma_start3A_141 : memref<1x128xi32, #tpu.memory_space<vmem>> -> memref<128xi32, #tpu.memory_space<vmem>>
    %dma_start3A_143 = arith.constant 0 : i32
    %dma_start3A_144 = arith.constant 0 : i32
    %dma_start3A_145 = tpu.memref_slice %arg4[%dma_start3A_143, %dma_start3A_144] : memref<1000000x64xf32, #tpu.memory_space<hbm>> -> memref<1000000x64xf32, #tpu.memory_space<hbm>>
    tpu.enqueue_indirect_dma source(%dma_start3A_145 : memref<1000000x64xf32, #tpu.memory_space<hbm>>) target(%arg11 : memref<128x64xf32, #tpu.memory_space<vmem>>) offsets(%dma_start3A_142 : memref<128xi32, #tpu.memory_space<vmem>>) semaphore(%arg19 : memref<!tpu.dma_semaphore, #tpu.memory_space<semaphore_mem>>)
    %scan3A_146 = arith.constant 0 : i32
    %scan3A_147 = arith.constant 0 : i32
    %scan3A_148 = arith.constant 8 : i32
    %scan3A_149 = arith.addi %scan3A_147, %scan3A_148 : i32
    %scan3A_150 = arith.constant 1 : i32
    scf.for %scan3A_206 = %scan3A_147 to %scan3A_149 step %scan3A_150  : i32 {
      %dma_wait3A_207 = arith.constant 0 : i32
      %dma_wait3A_208 = arith.constant 0 : i32
      %dma_wait3A_209 = arith.constant 0 : i32
      %dma_wait3A_210 = arith.constant 0 : i32
      %dma_wait3A_211 = tpu.memref_slice %arg12[%dma_wait3A_210] : memref<8192xf32, #tpu.memory_space<vmem>> -> memref<1024xf32, #tpu.memory_space<vmem>>
      %dma_wait3A_212 = arith.constant 0 : i32
      %dma_wait3A_213 = tpu.memref_slice %arg5[%dma_wait3A_207, %dma_wait3A_208, %dma_wait3A_209, %dma_wait3A_212] : memref<50x8x32x1024xf32, #tpu.memory_space<hbm>> -> memref<1x1x1x1024xf32, #tpu.memory_space<hbm>>
      %dma_wait3A_214 = tpu.memref_squeeze %dma_wait3A_213 : memref<1x1x1x1024xf32, #tpu.memory_space<hbm>> -> memref<1024xf32, #tpu.memory_space<hbm>>
      %dma_wait3A_215 = arith.constant 0 : i32
      %dma_wait3A_216 = tpu.memref_slice %arg5[%dma_wait3A_207, %dma_wait3A_208, %dma_wait3A_209, %dma_wait3A_215] : memref<50x8x32x1024xf32, #tpu.memory_space<hbm>> -> memref<1x1x1x1024xf32, #tpu.memory_space<hbm>>
      %dma_wait3A_217 = tpu.memref_squeeze %dma_wait3A_216 : memref<1x1x1x1024xf32, #tpu.memory_space<hbm>> -> memref<1024xf32, #tpu.memory_space<hbm>>
      %dma_wait3A_218 = arith.constant 0 : i32
      %dma_wait3A_219 = tpu.memref_slice %arg12[%dma_wait3A_218] : memref<8192xf32, #tpu.memory_space<vmem>> -> memref<1024xf32, #tpu.memory_space<vmem>>
      tpu.wait_dma2 semaphore(%arg20 : memref<!tpu.dma_semaphore, #tpu.memory_space<semaphore_mem>>) src(%dma_wait3A_219 : memref<1024xf32, #tpu.memory_space<vmem>>) dst(%dma_wait3A_217 : memref<1024xf32, #tpu.memory_space<hbm>>)
      %dma_wait3A_220 = arith.constant 0 : i32
      %dma_wait3A_221 = arith.constant 0 : i32
      %dma_wait3A_222 = arith.constant 0 : i32
      %dma_wait3A_223 = arith.constant 0 : i32
      %dma_wait3A_224 = tpu.memref_slice %arg14[%dma_wait3A_223] : memref<8192xf32, #tpu.memory_space<vmem>> -> memref<1024xf32, #tpu.memory_space<vmem>>
      %dma_wait3A_225 = arith.constant 0 : i32
      %dma_wait3A_226 = tpu.memref_slice %arg6[%dma_wait3A_220, %dma_wait3A_221, %dma_wait3A_222, %dma_wait3A_225] : memref<50x8x32x1024xf32, #tpu.memory_space<hbm>> -> memref<1x1x1x1024xf32, #tpu.memory_space<hbm>>
      %dma_wait3A_227 = tpu.memref_squeeze %dma_wait3A_226 : memref<1x1x1x1024xf32, #tpu.memory_space<hbm>> -> memref<1024xf32, #tpu.memory_space<hbm>>
      %dma_wait3A_228 = arith.constant 0 : i32
      %dma_wait3A_229 = tpu.memref_slice %arg6[%dma_wait3A_220, %dma_wait3A_221, %dma_wait3A_222, %dma_wait3A_228] : memref<50x8x32x1024xf32, #tpu.memory_space<hbm>> -> memref<1x1x1x1024xf32, #tpu.memory_space<hbm>>
      %dma_wait3A_230 = tpu.memref_squeeze %dma_wait3A_229 : memref<1x1x1x1024xf32, #tpu.memory_space<hbm>> -> memref<1024xf32, #tpu.memory_space<hbm>>
      %dma_wait3A_231 = arith.constant 0 : i32
      %dma_wait3A_232 = tpu.memref_slice %arg14[%dma_wait3A_231] : memref<8192xf32, #tpu.memory_space<vmem>> -> memref<1024xf32, #tpu.memory_space<vmem>>
      tpu.wait_dma2 semaphore(%arg20 : memref<!tpu.dma_semaphore, #tpu.memory_space<semaphore_mem>>) src(%dma_wait3A_232 : memref<1024xf32, #tpu.memory_space<vmem>>) dst(%dma_wait3A_230 : memref<1024xf32, #tpu.memory_space<hbm>>)
    }
    %scan3A_151 = arith.constant 8 : i32
    %scan3A_152 = arith.constant 0 : i32
    %scan3A_153 = arith.constant 0 : i32
    %scan3A_154 = arith.constant 128 : i32
    %scan3A_155 = arith.addi %scan3A_153, %scan3A_154 : i32
    %scan3A_156 = arith.constant 1 : i32
    scf.for %scan3A_206 = %scan3A_153 to %scan3A_155 step %scan3A_156  : i32 {
      %add3A_207 = vector.broadcast %scan3A_206 : i32 to vector<16xi32>
      %add3A_208 = arith.addi %mul3A_6, %add3A_207 : vector<16xi32>
      %get3A = arith.index_cast %scan3A_206 : i32 to index
      %get3A_209 = arith.constant 0 : index
      %get3A_210 = tpu.vector_load %arg8[%get3A, %get3A_209] {strides = array<i32>} : memref<128x64xf32, #tpu.memory_space<vmem>>, vector<16xf32>,
      tpu.vector_store_idx %arg12[%add3A_208], %get3A_210 : memref<8192xf32, #tpu.memory_space<vmem>>[vector<16xi32>], vector<16xf32>,
      %get3A_211 = arith.index_cast %scan3A_206 : i32 to index
      %get3A_212 = arith.constant 0 : index
      %get3A_213 = tpu.vector_load %arg10[%get3A_211, %get3A_212] {strides = array<i32>} : memref<128x64xf32, #tpu.memory_space<vmem>>, vector<16xf32>,
      tpu.vector_store_idx %arg14[%add3A_208], %get3A_213 : memref<8192xf32, #tpu.memory_space<vmem>>[vector<16xi32>], vector<16xf32>,
      %add3A_214 = vector.broadcast %scan3A_206 : i32 to vector<16xi32>
      %add3A_215 = arith.addi %mul3A_12, %add3A_214 : vector<16xi32>
      %get3A_216 = arith.index_cast %scan3A_206 : i32 to index
      %get3A_217 = arith.constant 16 : index
      %get3A_218 = tpu.vector_load %arg8[%get3A_216, %get3A_217] {strides = array<i32>} : memref<128x64xf32, #tpu.memory_space<vmem>>, vector<16xf32>,
      tpu.vector_store_idx %arg12[%add3A_215], %get3A_218 : memref<8192xf32, #tpu.memory_space<vmem>>[vector<16xi32>], vector<16xf32>,
      %get3A_219 = arith.index_cast %scan3A_206 : i32 to index
      %get3A_220 = arith.constant 16 : index
      %get3A_221 = tpu.vector_load %arg10[%get3A_219, %get3A_220] {strides = array<i32>} : memref<128x64xf32, #tpu.memory_space<vmem>>, vector<16xf32>,
      tpu.vector_store_idx %arg14[%add3A_215], %get3A_221 : memref<8192xf32, #tpu.memory_space<vmem>>[vector<16xi32>], vector<16xf32>,
      %add3A_222 = vector.broadcast %scan3A_206 : i32 to vector<16xi32>
      %add3A_223 = arith.addi %mul3A_18, %add3A_222 : vector<16xi32>
      %get3A_224 = arith.index_cast %scan3A_206 : i32 to index
      %get3A_225 = arith.constant 32 : index
      %get3A_226 = tpu.vector_load %arg8[%get3A_224, %get3A_225] {strides = array<i32>} : memref<128x64xf32, #tpu.memory_space<vmem>>, vector<16xf32>,
      tpu.vector_store_idx %arg12[%add3A_223], %get3A_226 : memref<8192xf32, #tpu.memory_space<vmem>>[vector<16xi32>], vector<16xf32>,
      %get3A_227 = arith.index_cast %scan3A_206 : i32 to index
      %get3A_228 = arith.constant 32 : index
      %get3A_229 = tpu.vector_load %arg10[%get3A_227, %get3A_228] {strides = array<i32>} : memref<128x64xf32, #tpu.memory_space<vmem>>, vector<16xf32>,
      tpu.vector_store_idx %arg14[%add3A_223], %get3A_229 : memref<8192xf32, #tpu.memory_space<vmem>>[vector<16xi32>], vector<16xf32>,
      %add3A_230 = vector.broadcast %scan3A_206 : i32 to vector<16xi32>
      %add3A_231 = arith.addi %mul3A_24, %add3A_230 : vector<16xi32>
      %get3A_232 = arith.index_cast %scan3A_206 : i32 to index
      %get3A_233 = arith.constant 48 : index
      %get3A_234 = tpu.vector_load %arg8[%get3A_232, %get3A_233] {strides = array<i32>} : memref<128x64xf32, #tpu.memory_space<vmem>>, vector<16xf32>,
      tpu.vector_store_idx %arg12[%add3A_231], %get3A_234 : memref<8192xf32, #tpu.memory_space<vmem>>[vector<16xi32>], vector<16xf32>,
      %get3A_235 = arith.index_cast %scan3A_206 : i32 to index
      %get3A_236 = arith.constant 48 : index
      %get3A_237 = tpu.vector_load %arg10[%get3A_235, %get3A_236] {strides = array<i32>} : memref<128x64xf32, #tpu.memory_space<vmem>>, vector<16xf32>,
      tpu.vector_store_idx %arg14[%add3A_231], %get3A_237 : memref<8192xf32, #tpu.memory_space<vmem>>[vector<16xi32>], vector<16xf32>,
    }
    %scan3A_157 = arith.constant 128 : i32
    %scan3A_158 = arith.constant 0 : i32
    %scan3A_159 = arith.constant 0 : i32
    %scan3A_160 = arith.constant 8 : i32
    %scan3A_161 = arith.addi %scan3A_159, %scan3A_160 : i32
    %scan3A_162 = arith.constant 1 : i32
    scf.for %scan3A_206 = %scan3A_159 to %scan3A_161 step %scan3A_162  : i32 {
      %mul3A_207 = arith.constant 8 : i32
      %mul3A_208 = arith.muli %scan3A_206, %mul3A_207 : i32
      %mul3A_209 = arith.constant 128 : i32
      %mul3A_210 = arith.muli %mul3A_208, %mul3A_209 : i32
      %dma_start3A_211 = arith.constant 48 : i32
      %dma_start3A_212 = tpu.memref_slice %arg12[%mul3A_210] : memref<8192xf32, #tpu.memory_space<vmem>> -> memref<1024xf32, #tpu.memory_space<vmem>>
      %dma_start3A_213 = arith.constant 0 : i32
      %dma_start3A_214 = tpu.memref_slice %arg5[%dma_start3A_211, %scan3A_206, %add3A, %dma_start3A_213] : memref<50x8x32x1024xf32, #tpu.memory_space<hbm>> -> memref<1x1x1x1024xf32, #tpu.memory_space<hbm>>
      %dma_start3A_215 = tpu.memref_squeeze %dma_start3A_214 : memref<1x1x1x1024xf32, #tpu.memory_space<hbm>> -> memref<1024xf32, #tpu.memory_space<hbm>>
      %dma_start3A_216 = arith.constant 0 : i32
      %dma_start3A_217 = tpu.memref_slice %arg5[%dma_start3A_211, %scan3A_206, %add3A, %dma_start3A_216] : memref<50x8x32x1024xf32, #tpu.memory_space<hbm>> -> memref<1x1x1x1024xf32, #tpu.memory_space<hbm>>
      %dma_start3A_218 = tpu.memref_squeeze %dma_start3A_217 : memref<1x1x1x1024xf32, #tpu.memory_space<hbm>> -> memref<1024xf32, #tpu.memory_space<hbm>>
      %dma_start3A_219 = tpu.memref_slice %arg12[%mul3A_210] : memref<8192xf32, #tpu.memory_space<vmem>> -> memref<1024xf32, #tpu.memory_space<vmem>>
      tpu.enqueue_dma source(%dma_start3A_219 : memref<1024xf32, #tpu.memory_space<vmem>>) target(%dma_start3A_218 : memref<1024xf32, #tpu.memory_space<hbm>>) target_semaphore(%arg20 : memref<!tpu.dma_semaphore, #tpu.memory_space<semaphore_mem>>)
      %mul3A_220 = arith.constant 8 : i32
      %mul3A_221 = arith.muli %scan3A_206, %mul3A_220 : i32
      %mul3A_222 = arith.constant 128 : i32
      %mul3A_223 = arith.muli %mul3A_221, %mul3A_222 : i32
      %dma_start3A_224 = arith.constant 48 : i32
      %dma_start3A_225 = tpu.memref_slice %arg14[%mul3A_223] : memref<8192xf32, #tpu.memory_space<vmem>> -> memref<1024xf32, #tpu.memory_space<vmem>>
      %dma_start3A_226 = arith.constant 0 : i32
      %dma_start3A_227 = tpu.memref_slice %arg6[%dma_start3A_224, %scan3A_206, %add3A, %dma_start3A_226] : memref<50x8x32x1024xf32, #tpu.memory_space<hbm>> -> memref<1x1x1x1024xf32, #tpu.memory_space<hbm>>
      %dma_start3A_228 = tpu.memref_squeeze %dma_start3A_227 : memref<1x1x1x1024xf32, #tpu.memory_space<hbm>> -> memref<1024xf32, #tpu.memory_space<hbm>>
      %dma_start3A_229 = arith.constant 0 : i32
      %dma_start3A_230 = tpu.memref_slice %arg6[%dma_start3A_224, %scan3A_206, %add3A, %dma_start3A_229] : memref<50x8x32x1024xf32, #tpu.memory_space<hbm>> -> memref<1x1x1x1024xf32, #tpu.memory_space<hbm>>
      %dma_start3A_231 = tpu.memref_squeeze %dma_start3A_230 : memref<1x1x1x1024xf32, #tpu.memory_space<hbm>> -> memref<1024xf32, #tpu.memory_space<hbm>>
      %dma_start3A_232 = tpu.memref_slice %arg14[%mul3A_223] : memref<8192xf32, #tpu.memory_space<vmem>> -> memref<1024xf32, #tpu.memory_space<vmem>>
      tpu.enqueue_dma source(%dma_start3A_232 : memref<1024xf32, #tpu.memory_space<vmem>>) target(%dma_start3A_231 : memref<1024xf32, #tpu.memory_space<hbm>>) target_semaphore(%arg20 : memref<!tpu.dma_semaphore, #tpu.memory_space<semaphore_mem>>)
    }
    %scan3A_163 = arith.constant 8 : i32
    %dma_wait3A_164 = arith.constant 0 : i32
    %dma_wait3A_165 = arith.constant 0 : i32
    %dma_wait3A_166 = tpu.memref_slice %arg3[%dma_wait3A_164, %dma_wait3A_165] : memref<1000000x64xf32, #tpu.memory_space<hbm>> -> memref<128x64xf32, #tpu.memory_space<hbm>>
    %dma_wait3A_167 = arith.constant 0 : i32
    %dma_wait3A_168 = arith.constant 0 : i32
    %dma_wait3A_169 = tpu.memref_slice %arg3[%dma_wait3A_167, %dma_wait3A_168] : memref<1000000x64xf32, #tpu.memory_space<hbm>> -> memref<128x64xf32, #tpu.memory_space<hbm>>
    tpu.wait_dma2 semaphore(%arg17 : memref<!tpu.dma_semaphore, #tpu.memory_space<semaphore_mem>>) src(%dma_wait3A_169 : memref<128x64xf32, #tpu.memory_space<hbm>>) dst(%arg9 : memref<128x64xf32, #tpu.memory_space<vmem>>)
    %dma_wait3A_170 = arith.constant 0 : i32
    %dma_wait3A_171 = arith.constant 0 : i32
    %dma_wait3A_172 = tpu.memref_slice %arg4[%dma_wait3A_170, %dma_wait3A_171] : memref<1000000x64xf32, #tpu.memory_space<hbm>> -> memref<128x64xf32, #tpu.memory_space<hbm>>
    %dma_wait3A_173 = arith.constant 0 : i32
    %dma_wait3A_174 = arith.constant 0 : i32
    %dma_wait3A_175 = tpu.memref_slice %arg4[%dma_wait3A_173, %dma_wait3A_174] : memref<1000000x64xf32, #tpu.memory_space<hbm>> -> memref<128x64xf32, #tpu.memory_space<hbm>>
    tpu.wait_dma2 semaphore(%arg19 : memref<!tpu.dma_semaphore, #tpu.memory_space<semaphore_mem>>) src(%dma_wait3A_175 : memref<128x64xf32, #tpu.memory_space<hbm>>) dst(%arg11 : memref<128x64xf32, #tpu.memory_space<vmem>>)
    %scan3A_176 = arith.constant 0 : i32
    %scan3A_177 = arith.constant 0 : i32
    %scan3A_178 = arith.constant 8 : i32
    %scan3A_179 = arith.addi %scan3A_177, %scan3A_178 : i32
    %scan3A_180 = arith.constant 1 : i32
    scf.for %scan3A_206 = %scan3A_177 to %scan3A_179 step %scan3A_180  : i32 {
      %dma_wait3A_207 = arith.constant 0 : i32
      %dma_wait3A_208 = arith.constant 0 : i32
      %dma_wait3A_209 = arith.constant 0 : i32
      %dma_wait3A_210 = arith.constant 0 : i32
      %dma_wait3A_211 = tpu.memref_slice %arg13[%dma_wait3A_210] : memref<8192xf32, #tpu.memory_space<vmem>> -> memref<1024xf32, #tpu.memory_space<vmem>>
      %dma_wait3A_212 = arith.constant 0 : i32
      %dma_wait3A_213 = tpu.memref_slice %arg5[%dma_wait3A_207, %dma_wait3A_208, %dma_wait3A_209, %dma_wait3A_212] : memref<50x8x32x1024xf32, #tpu.memory_space<hbm>> -> memref<1x1x1x1024xf32, #tpu.memory_space<hbm>>
      %dma_wait3A_214 = tpu.memref_squeeze %dma_wait3A_213 : memref<1x1x1x1024xf32, #tpu.memory_space<hbm>> -> memref<1024xf32, #tpu.memory_space<hbm>>
      %dma_wait3A_215 = arith.constant 0 : i32
      %dma_wait3A_216 = tpu.memref_slice %arg5[%dma_wait3A_207, %dma_wait3A_208, %dma_wait3A_209, %dma_wait3A_215] : memref<50x8x32x1024xf32, #tpu.memory_space<hbm>> -> memref<1x1x1x1024xf32, #tpu.memory_space<hbm>>
      %dma_wait3A_217 = tpu.memref_squeeze %dma_wait3A_216 : memref<1x1x1x1024xf32, #tpu.memory_space<hbm>> -> memref<1024xf32, #tpu.memory_space<hbm>>
      %dma_wait3A_218 = arith.constant 0 : i32
      %dma_wait3A_219 = tpu.memref_slice %arg13[%dma_wait3A_218] : memref<8192xf32, #tpu.memory_space<vmem>> -> memref<1024xf32, #tpu.memory_space<vmem>>
      tpu.wait_dma2 semaphore(%arg21 : memref<!tpu.dma_semaphore, #tpu.memory_space<semaphore_mem>>) src(%dma_wait3A_219 : memref<1024xf32, #tpu.memory_space<vmem>>) dst(%dma_wait3A_217 : memref<1024xf32, #tpu.memory_space<hbm>>)
      %dma_wait3A_220 = arith.constant 0 : i32
      %dma_wait3A_221 = arith.constant 0 : i32
      %dma_wait3A_222 = arith.constant 0 : i32
      %dma_wait3A_223 = arith.constant 0 : i32
      %dma_wait3A_224 = tpu.memref_slice %arg15[%dma_wait3A_223] : memref<8192xf32, #tpu.memory_space<vmem>> -> memref<1024xf32, #tpu.memory_space<vmem>>
      %dma_wait3A_225 = arith.constant 0 : i32
      %dma_wait3A_226 = tpu.memref_slice %arg6[%dma_wait3A_220, %dma_wait3A_221, %dma_wait3A_222, %dma_wait3A_225] : memref<50x8x32x1024xf32, #tpu.memory_space<hbm>> -> memref<1x1x1x1024xf32, #tpu.memory_space<hbm>>
      %dma_wait3A_227 = tpu.memref_squeeze %dma_wait3A_226 : memref<1x1x1x1024xf32, #tpu.memory_space<hbm>> -> memref<1024xf32, #tpu.memory_space<hbm>>
      %dma_wait3A_228 = arith.constant 0 : i32
      %dma_wait3A_229 = tpu.memref_slice %arg6[%dma_wait3A_220, %dma_wait3A_221, %dma_wait3A_222, %dma_wait3A_228] : memref<50x8x32x1024xf32, #tpu.memory_space<hbm>> -> memref<1x1x1x1024xf32, #tpu.memory_space<hbm>>
      %dma_wait3A_230 = tpu.memref_squeeze %dma_wait3A_229 : memref<1x1x1x1024xf32, #tpu.memory_space<hbm>> -> memref<1024xf32, #tpu.memory_space<hbm>>
      %dma_wait3A_231 = arith.constant 0 : i32
      %dma_wait3A_232 = tpu.memref_slice %arg15[%dma_wait3A_231] : memref<8192xf32, #tpu.memory_space<vmem>> -> memref<1024xf32, #tpu.memory_space<vmem>>
      tpu.wait_dma2 semaphore(%arg21 : memref<!tpu.dma_semaphore, #tpu.memory_space<semaphore_mem>>) src(%dma_wait3A_232 : memref<1024xf32, #tpu.memory_space<vmem>>) dst(%dma_wait3A_230 : memref<1024xf32, #tpu.memory_space<hbm>>)
    }
    %scan3A_181 = arith.constant 8 : i32
    %scan3A_182 = arith.constant 0 : i32
    %scan3A_183 = arith.constant 0 : i32
    %scan3A_184 = arith.constant 128 : i32
    %scan3A_185 = arith.addi %scan3A_183, %scan3A_184 : i32
    %scan3A_186 = arith.constant 1 : i32
    scf.for %scan3A_206 = %scan3A_183 to %scan3A_185 step %scan3A_186  : i32 {
      %add3A_207 = vector.broadcast %scan3A_206 : i32 to vector<16xi32>
      %add3A_208 = arith.addi %mul3A_6, %add3A_207 : vector<16xi32>
      %get3A = arith.index_cast %scan3A_206 : i32 to index
      %get3A_209 = arith.constant 0 : index
      %get3A_210 = tpu.vector_load %arg9[%get3A, %get3A_209] {strides = array<i32>} : memref<128x64xf32, #tpu.memory_space<vmem>>, vector<16xf32>,
      tpu.vector_store_idx %arg13[%add3A_208], %get3A_210 : memref<8192xf32, #tpu.memory_space<vmem>>[vector<16xi32>], vector<16xf32>,
      %get3A_211 = arith.index_cast %scan3A_206 : i32 to index
      %get3A_212 = arith.constant 0 : index
      %get3A_213 = tpu.vector_load %arg11[%get3A_211, %get3A_212] {strides = array<i32>} : memref<128x64xf32, #tpu.memory_space<vmem>>, vector<16xf32>,
      tpu.vector_store_idx %arg15[%add3A_208], %get3A_213 : memref<8192xf32, #tpu.memory_space<vmem>>[vector<16xi32>], vector<16xf32>,
      %add3A_214 = vector.broadcast %scan3A_206 : i32 to vector<16xi32>
      %add3A_215 = arith.addi %mul3A_12, %add3A_214 : vector<16xi32>
      %get3A_216 = arith.index_cast %scan3A_206 : i32 to index
      %get3A_217 = arith.constant 16 : index
      %get3A_218 = tpu.vector_load %arg9[%get3A_216, %get3A_217] {strides = array<i32>} : memref<128x64xf32, #tpu.memory_space<vmem>>, vector<16xf32>,
      tpu.vector_store_idx %arg13[%add3A_215], %get3A_218 : memref<8192xf32, #tpu.memory_space<vmem>>[vector<16xi32>], vector<16xf32>,
      %get3A_219 = arith.index_cast %scan3A_206 : i32 to index
      %get3A_220 = arith.constant 16 : index
      %get3A_221 = tpu.vector_load %arg11[%get3A_219, %get3A_220] {strides = array<i32>} : memref<128x64xf32, #tpu.memory_space<vmem>>, vector<16xf32>,
      tpu.vector_store_idx %arg15[%add3A_215], %get3A_221 : memref<8192xf32, #tpu.memory_space<vmem>>[vector<16xi32>], vector<16xf32>,
      %add3A_222 = vector.broadcast %scan3A_206 : i32 to vector<16xi32>
      %add3A_223 = arith.addi %mul3A_18, %add3A_222 : vector<16xi32>
      %get3A_224 = arith.index_cast %scan3A_206 : i32 to index
      %get3A_225 = arith.constant 32 : index
      %get3A_226 = tpu.vector_load %arg9[%get3A_224, %get3A_225] {strides = array<i32>} : memref<128x64xf32, #tpu.memory_space<vmem>>, vector<16xf32>,
      tpu.vector_store_idx %arg13[%add3A_223], %get3A_226 : memref<8192xf32, #tpu.memory_space<vmem>>[vector<16xi32>], vector<16xf32>,
      %get3A_227 = arith.index_cast %scan3A_206 : i32 to index
      %get3A_228 = arith.constant 32 : index
      %get3A_229 = tpu.vector_load %arg11[%get3A_227, %get3A_228] {strides = array<i32>} : memref<128x64xf32, #tpu.memory_space<vmem>>, vector<16xf32>,
      tpu.vector_store_idx %arg15[%add3A_223], %get3A_229 : memref<8192xf32, #tpu.memory_space<vmem>>[vector<16xi32>], vector<16xf32>,
      %add3A_230 = vector.broadcast %scan3A_206 : i32 to vector<16xi32>
      %add3A_231 = arith.addi %mul3A_24, %add3A_230 : vector<16xi32>
      %get3A_232 = arith.index_cast %scan3A_206 : i32 to index
      %get3A_233 = arith.constant 48 : index
      %get3A_234 = tpu.vector_load %arg9[%get3A_232, %get3A_233] {strides = array<i32>} : memref<128x64xf32, #tpu.memory_space<vmem>>, vector<16xf32>,
      tpu.vector_store_idx %arg13[%add3A_231], %get3A_234 : memref<8192xf32, #tpu.memory_space<vmem>>[vector<16xi32>], vector<16xf32>,
      %get3A_235 = arith.index_cast %scan3A_206 : i32 to index
      %get3A_236 = arith.constant 48 : index
      %get3A_237 = tpu.vector_load %arg11[%get3A_235, %get3A_236] {strides = array<i32>} : memref<128x64xf32, #tpu.memory_space<vmem>>, vector<16xf32>,
      tpu.vector_store_idx %arg15[%add3A_231], %get3A_237 : memref<8192xf32, #tpu.memory_space<vmem>>[vector<16xi32>], vector<16xf32>,
    }
    %scan3A_187 = arith.constant 128 : i32
    %scan3A_188 = arith.constant 0 : i32
    %scan3A_189 = arith.constant 0 : i32
    %scan3A_190 = arith.constant 8 : i32
    %scan3A_191 = arith.addi %scan3A_189, %scan3A_190 : i32
    %scan3A_192 = arith.constant 1 : i32
    scf.for %scan3A_206 = %scan3A_189 to %scan3A_191 step %scan3A_192  : i32 {
      %mul3A_207 = arith.constant 8 : i32
      %mul3A_208 = arith.muli %scan3A_206, %mul3A_207 : i32
      %mul3A_209 = arith.constant 128 : i32
      %mul3A_210 = arith.muli %mul3A_208, %mul3A_209 : i32
      %dma_start3A_211 = arith.constant 49 : i32
      %dma_start3A_212 = tpu.memref_slice %arg13[%mul3A_210] : memref<8192xf32, #tpu.memory_space<vmem>> -> memref<1024xf32, #tpu.memory_space<vmem>>
      %dma_start3A_213 = arith.constant 0 : i32
      %dma_start3A_214 = tpu.memref_slice %arg5[%dma_start3A_211, %scan3A_206, %add3A, %dma_start3A_213] : memref<50x8x32x1024xf32, #tpu.memory_space<hbm>> -> memref<1x1x1x1024xf32, #tpu.memory_space<hbm>>
      %dma_start3A_215 = tpu.memref_squeeze %dma_start3A_214 : memref<1x1x1x1024xf32, #tpu.memory_space<hbm>> -> memref<1024xf32, #tpu.memory_space<hbm>>
      %dma_start3A_216 = arith.constant 0 : i32
      %dma_start3A_217 = tpu.memref_slice %arg5[%dma_start3A_211, %scan3A_206, %add3A, %dma_start3A_216] : memref<50x8x32x1024xf32, #tpu.memory_space<hbm>> -> memref<1x1x1x1024xf32, #tpu.memory_space<hbm>>
      %dma_start3A_218 = tpu.memref_squeeze %dma_start3A_217 : memref<1x1x1x1024xf32, #tpu.memory_space<hbm>> -> memref<1024xf32, #tpu.memory_space<hbm>>
      %dma_start3A_219 = tpu.memref_slice %arg13[%mul3A_210] : memref<8192xf32, #tpu.memory_space<vmem>> -> memref<1024xf32, #tpu.memory_space<vmem>>
      tpu.enqueue_dma source(%dma_start3A_219 : memref<1024xf32, #tpu.memory_space<vmem>>) target(%dma_start3A_218 : memref<1024xf32, #tpu.memory_space<hbm>>) target_semaphore(%arg21 : memref<!tpu.dma_semaphore, #tpu.memory_space<semaphore_mem>>)
      %mul3A_220 = arith.constant 8 : i32
      %mul3A_221 = arith.muli %scan3A_206, %mul3A_220 : i32
      %mul3A_222 = arith.constant 128 : i32
      %mul3A_223 = arith.muli %mul3A_221, %mul3A_222 : i32
      %dma_start3A_224 = arith.constant 49 : i32
      %dma_start3A_225 = tpu.memref_slice %arg15[%mul3A_223] : memref<8192xf32, #tpu.memory_space<vmem>> -> memref<1024xf32, #tpu.memory_space<vmem>>
      %dma_start3A_226 = arith.constant 0 : i32
      %dma_start3A_227 = tpu.memref_slice %arg6[%dma_start3A_224, %scan3A_206, %add3A, %dma_start3A_226] : memref<50x8x32x1024xf32, #tpu.memory_space<hbm>> -> memref<1x1x1x1024xf32, #tpu.memory_space<hbm>>
      %dma_start3A_228 = tpu.memref_squeeze %dma_start3A_227 : memref<1x1x1x1024xf32, #tpu.memory_space<hbm>> -> memref<1024xf32, #tpu.memory_space<hbm>>
      %dma_start3A_229 = arith.constant 0 : i32
      %dma_start3A_230 = tpu.memref_slice %arg6[%dma_start3A_224, %scan3A_206, %add3A, %dma_start3A_229] : memref<50x8x32x1024xf32, #tpu.memory_space<hbm>> -> memref<1x1x1x1024xf32, #tpu.memory_space<hbm>>
      %dma_start3A_231 = tpu.memref_squeeze %dma_start3A_230 : memref<1x1x1x1024xf32, #tpu.memory_space<hbm>> -> memref<1024xf32, #tpu.memory_space<hbm>>
      %dma_start3A_232 = tpu.memref_slice %arg15[%mul3A_223] : memref<8192xf32, #tpu.memory_space<vmem>> -> memref<1024xf32, #tpu.memory_space<vmem>>
      tpu.enqueue_dma source(%dma_start3A_232 : memref<1024xf32, #tpu.memory_space<vmem>>) target(%dma_start3A_231 : memref<1024xf32, #tpu.memory_space<hbm>>) target_semaphore(%arg21 : memref<!tpu.dma_semaphore, #tpu.memory_space<semaphore_mem>>)
    }
    %scan3A_193 = arith.constant 8 : i32
    %scan3A_194 = arith.constant 0 : i32
    %scan3A_195 = arith.constant 0 : i32
    %scan3A_196 = arith.constant 8 : i32
    %scan3A_197 = arith.addi %scan3A_195, %scan3A_196 : i32
    %scan3A_198 = arith.constant 1 : i32
    scf.for %scan3A_206 = %scan3A_195 to %scan3A_197 step %scan3A_198  : i32 {
      %dma_wait3A_207 = arith.constant 0 : i32
      %dma_wait3A_208 = arith.constant 0 : i32
      %dma_wait3A_209 = arith.constant 0 : i32
      %dma_wait3A_210 = arith.constant 0 : i32
      %dma_wait3A_211 = tpu.memref_slice %arg12[%dma_wait3A_210] : memref<8192xf32, #tpu.memory_space<vmem>> -> memref<1024xf32, #tpu.memory_space<vmem>>
      %dma_wait3A_212 = arith.constant 0 : i32
      %dma_wait3A_213 = tpu.memref_slice %arg5[%dma_wait3A_207, %dma_wait3A_208, %dma_wait3A_209, %dma_wait3A_212] : memref<50x8x32x1024xf32, #tpu.memory_space<hbm>> -> memref<1x1x1x1024xf32, #tpu.memory_space<hbm>>
      %dma_wait3A_214 = tpu.memref_squeeze %dma_wait3A_213 : memref<1x1x1x1024xf32, #tpu.memory_space<hbm>> -> memref<1024xf32, #tpu.memory_space<hbm>>
      %dma_wait3A_215 = arith.constant 0 : i32
      %dma_wait3A_216 = tpu.memref_slice %arg5[%dma_wait3A_207, %dma_wait3A_208, %dma_wait3A_209, %dma_wait3A_215] : memref<50x8x32x1024xf32, #tpu.memory_space<hbm>> -> memref<1x1x1x1024xf32, #tpu.memory_space<hbm>>
      %dma_wait3A_217 = tpu.memref_squeeze %dma_wait3A_216 : memref<1x1x1x1024xf32, #tpu.memory_space<hbm>> -> memref<1024xf32, #tpu.memory_space<hbm>>
      %dma_wait3A_218 = arith.constant 0 : i32
      %dma_wait3A_219 = tpu.memref_slice %arg12[%dma_wait3A_218] : memref<8192xf32, #tpu.memory_space<vmem>> -> memref<1024xf32, #tpu.memory_space<vmem>>
      tpu.wait_dma2 semaphore(%arg20 : memref<!tpu.dma_semaphore, #tpu.memory_space<semaphore_mem>>) src(%dma_wait3A_219 : memref<1024xf32, #tpu.memory_space<vmem>>) dst(%dma_wait3A_217 : memref<1024xf32, #tpu.memory_space<hbm>>)
      %dma_wait3A_220 = arith.constant 0 : i32
      %dma_wait3A_221 = arith.constant 0 : i32
      %dma_wait3A_222 = arith.constant 0 : i32
      %dma_wait3A_223 = arith.constant 0 : i32
      %dma_wait3A_224 = tpu.memref_slice %arg14[%dma_wait3A_223] : memref<8192xf32, #tpu.memory_space<vmem>> -> memref<1024xf32, #tpu.memory_space<vmem>>
      %dma_wait3A_225 = arith.constant 0 : i32
      %dma_wait3A_226 = tpu.memref_slice %arg6[%dma_wait3A_220, %dma_wait3A_221, %dma_wait3A_222, %dma_wait3A_225] : memref<50x8x32x1024xf32, #tpu.memory_space<hbm>> -> memref<1x1x1x1024xf32, #tpu.memory_space<hbm>>
      %dma_wait3A_227 = tpu.memref_squeeze %dma_wait3A_226 : memref<1x1x1x1024xf32, #tpu.memory_space<hbm>> -> memref<1024xf32, #tpu.memory_space<hbm>>
      %dma_wait3A_228 = arith.constant 0 : i32
      %dma_wait3A_229 = tpu.memref_slice %arg6[%dma_wait3A_220, %dma_wait3A_221, %dma_wait3A_222, %dma_wait3A_228] : memref<50x8x32x1024xf32, #tpu.memory_space<hbm>> -> memref<1x1x1x1024xf32, #tpu.memory_space<hbm>>
      %dma_wait3A_230 = tpu.memref_squeeze %dma_wait3A_229 : memref<1x1x1x1024xf32, #tpu.memory_space<hbm>> -> memref<1024xf32, #tpu.memory_space<hbm>>
      %dma_wait3A_231 = arith.constant 0 : i32
      %dma_wait3A_232 = tpu.memref_slice %arg14[%dma_wait3A_231] : memref<8192xf32, #tpu.memory_space<vmem>> -> memref<1024xf32, #tpu.memory_space<vmem>>
      tpu.wait_dma2 semaphore(%arg20 : memref<!tpu.dma_semaphore, #tpu.memory_space<semaphore_mem>>) src(%dma_wait3A_232 : memref<1024xf32, #tpu.memory_space<vmem>>) dst(%dma_wait3A_230 : memref<1024xf32, #tpu.memory_space<hbm>>)
    }
    %scan3A_199 = arith.constant 8 : i32
    %scan3A_200 = arith.constant 0 : i32
    %scan3A_201 = arith.constant 0 : i32
    %scan3A_202 = arith.constant 8 : i32
    %scan3A_203 = arith.addi %scan3A_201, %scan3A_202 : i32
    %scan3A_204 = arith.constant 1 : i32
    scf.for %scan3A_206 = %scan3A_201 to %scan3A_203 step %scan3A_204  : i32 {
      %dma_wait3A_207 = arith.constant 0 : i32
      %dma_wait3A_208 = arith.constant 0 : i32
      %dma_wait3A_209 = arith.constant 0 : i32
      %dma_wait3A_210 = arith.constant 0 : i32
      %dma_wait3A_211 = tpu.memref_slice %arg13[%dma_wait3A_210] : memref<8192xf32, #tpu.memory_space<vmem>> -> memref<1024xf32, #tpu.memory_space<vmem>>
      %dma_wait3A_212 = arith.constant 0 : i32
      %dma_wait3A_213 = tpu.memref_slice %arg5[%dma_wait3A_207, %dma_wait3A_208, %dma_wait3A_209, %dma_wait3A_212] : memref<50x8x32x1024xf32, #tpu.memory_space<hbm>> -> memref<1x1x1x1024xf32, #tpu.memory_space<hbm>>
      %dma_wait3A_214 = tpu.memref_squeeze %dma_wait3A_213 : memref<1x1x1x1024xf32, #tpu.memory_space<hbm>> -> memref<1024xf32, #tpu.memory_space<hbm>>
      %dma_wait3A_215 = arith.constant 0 : i32
      %dma_wait3A_216 = tpu.memref_slice %arg5[%dma_wait3A_207, %dma_wait3A_208, %dma_wait3A_209, %dma_wait3A_215] : memref<50x8x32x1024xf32, #tpu.memory_space<hbm>> -> memref<1x1x1x1024xf32, #tpu.memory_space<hbm>>
      %dma_wait3A_217 = tpu.memref_squeeze %dma_wait3A_216 : memref<1x1x1x1024xf32, #tpu.memory_space<hbm>> -> memref<1024xf32, #tpu.memory_space<hbm>>
      %dma_wait3A_218 = arith.constant 0 : i32
      %dma_wait3A_219 = tpu.memref_slice %arg13[%dma_wait3A_218] : memref<8192xf32, #tpu.memory_space<vmem>> -> memref<1024xf32, #tpu.memory_space<vmem>>
      tpu.wait_dma2 semaphore(%arg21 : memref<!tpu.dma_semaphore, #tpu.memory_space<semaphore_mem>>) src(%dma_wait3A_219 : memref<1024xf32, #tpu.memory_space<vmem>>) dst(%dma_wait3A_217 : memref<1024xf32, #tpu.memory_space<hbm>>)
      %dma_wait3A_220 = arith.constant 0 : i32
      %dma_wait3A_221 = arith.constant 0 : i32
      %dma_wait3A_222 = arith.constant 0 : i32
      %dma_wait3A_223 = arith.constant 0 : i32
      %dma_wait3A_224 = tpu.memref_slice %arg15[%dma_wait3A_223] : memref<8192xf32, #tpu.memory_space<vmem>> -> memref<1024xf32, #tpu.memory_space<vmem>>
      %dma_wait3A_225 = arith.constant 0 : i32
      %dma_wait3A_226 = tpu.memref_slice %arg6[%dma_wait3A_220, %dma_wait3A_221, %dma_wait3A_222, %dma_wait3A_225] : memref<50x8x32x1024xf32, #tpu.memory_space<hbm>> -> memref<1x1x1x1024xf32, #tpu.memory_space<hbm>>
      %dma_wait3A_227 = tpu.memref_squeeze %dma_wait3A_226 : memref<1x1x1x1024xf32, #tpu.memory_space<hbm>> -> memref<1024xf32, #tpu.memory_space<hbm>>
      %dma_wait3A_228 = arith.constant 0 : i32
      %dma_wait3A_229 = tpu.memref_slice %arg6[%dma_wait3A_220, %dma_wait3A_221, %dma_wait3A_222, %dma_wait3A_228] : memref<50x8x32x1024xf32, #tpu.memory_space<hbm>> -> memref<1x1x1x1024xf32, #tpu.memory_space<hbm>>
      %dma_wait3A_230 = tpu.memref_squeeze %dma_wait3A_229 : memref<1x1x1x1024xf32, #tpu.memory_space<hbm>> -> memref<1024xf32, #tpu.memory_space<hbm>>
      %dma_wait3A_231 = arith.constant 0 : i32
      %dma_wait3A_232 = tpu.memref_slice %arg15[%dma_wait3A_231] : memref<8192xf32, #tpu.memory_space<vmem>> -> memref<1024xf32, #tpu.memory_space<vmem>>
      tpu.wait_dma2 semaphore(%arg21 : memref<!tpu.dma_semaphore, #tpu.memory_space<semaphore_mem>>) src(%dma_wait3A_232 : memref<1024xf32, #tpu.memory_space<vmem>>) dst(%dma_wait3A_230 : memref<1024xf32, #tpu.memory_space<hbm>>)
    }
    %scan3A_205 = arith.constant 8 : i32
    return
  }
}

</mosaic_0001>

<sc_bundles>
// kernel: kernel.3.cloned.1.call-start
scs
__scs_entry_jumppad:
0x0: {  	(pc) =	sbr.rel $0x88, $3  }
0x1: {  	(tag) =	ssettag $0x0;
	lr =	simm.s32 $0x1  }
0x2: {  	[smem:$0x3F9E] =	sst lr;
	_ =	strace $0xD0000000  }
0x3: {  	_ = 	snop  }
0x4: {  	_ = 	snop  }
0x5: {  	_ = 	snop  }
0x6: {  	_ = 	snop  }
0x7: {  	_ = 	snop  }
__scs_overlays_trampoline_lowered:
0x8: {  	[smem:$0x3FAD] =	sst s0  }
0x9: {  	[smem:$0x3FAE] =	sst s1  }
0xa: {  	[smem:$0x3FAF] =	sst s2  }
0xb: {  	[smem:$0x3FB0] =	sst s3  }
0xc: {  	[smem:$0x3FB1] =	sst s4  }
0xd: {  	[smem:$0x3FB2] =	sst s5  }
0xe: {  	[smem:$0x3FB3] =	sst s6  }
0xf: {  	[smem:$0x3FB4] =	sst s7  }
0x10: {  	[smem:$0x3FB5] =	sst s8  }
0x11: {  	[smem:$0x3FB6] =	sst s9;
	s0 =	simm.s32 @!p0 $0x0  }
0x12: {  	s1 =	sld [smem:$0x3F9C];
	s0 =	simm.s32 @p0 $0x1  }
0x13: {  	[smem:$0x3FB7] =	sst s0;
	s0 =	simm.s32 @!p1 $0x0  }
0x14: {  	s2 =	sld [smem:$0x3F9B];
	s0 =	simm.s32 @p1 $0x1  }
0x15: {  	[smem:$0x3FB8] =	sst s0;
	s0 =	simm.s32 @!p2 $0x0  }
0x16: {  	s3 =	sld [smem:$0x3FDB];
	s0 =	simm.s32 @p2 $0x1  }
0x17: {  	s4 =	simm.s32 $0x1BF5;
	[smem:$0x3FBA] =	sst s0  }
0x18: {  	s0 =	sld [smem:$0x3F9D];
	_ =	swait.ge [sflag:s4], $0x0  }
0x19: {  	s7 =	sld [smem:$0x3F9E]  }
0x1a: {  	s8 =	sadd.s32 $0xFFFFE003, lr  }
0x1b: {  	s9 =	sadd.s32 $0xFFFFFEF7, lr;
	s5 =	simm.s32 $0xFFFFFFFF;
	p2 =	slt.u32 s8, $0xFFFFF086  }
0x1c: {  	p1 =	slt.u32 s9, $0xF7A;
	s5 =	simm.s32 @!p2 $0x0  }
0x1d: {  	s5 =	simm.s32 @p1 $0x1;
	p0 =	seq.s32 s7, s2  }
0x1e: {  	s7 =	smul.u32 @!p0 $0xF7A, s2;
	p2 =	seq.s32 @!p0 s5, $0x0  }
0x1f: {  	s9 =	smul.u32 $0xF7A, s1;
	s8 =	simm.s32 @!p0 $0x1BF5;
	p2 =	por !p2, p0  }
0x20: {  	[sflag:s8] =	ssyncset.s32 @!p0 $0xFFFFF086;
	s6 =	sadd.s32 @!p0 s3, s7;
	s7 =	simm.s32 @!p0 $0x108  }
0x21: {  	s3 =	sadd.s32 s3, s9;
	s6 =	sadd.s32 @!p0 $0x88, s6;
	s7 =	simm.s32 @p2 $0x1082  }
0x22: {  	[simem:s7], [sflag:s8] =	dma.local @!p0 [hbm:s6], $0xF7A  }
0x23: {  	s9 =	sor.u32 $0xD0000000, s2;
	s6 =	simm.s32 $0x108;
	_ =	swait.ge @!p0 [sflag:s8], $0x0  }
0x24: {  	s3 =	sadd.s32 $0x88, s3;
	s6 =	simm.s32 @!p1 $0x1082;
	[sflag:s4] =	ssyncset.s32 $0xFFFFF086  }
0x25: {  	[simem:s6], [sflag:s4] =	dma.local [hbm:s3], $0xF7A  }
0x26: {  	[smem:$0x3F9E] =	sst s1;
	(tag) =	ssettag s2;
	_ =	strace s9  }
0x27: {  	s1 =	sld [smem:$0x3FAE]  }
0x28: {  	s2 =	sld [smem:$0x3FAF]  }
0x29: {  	s4 =	sld [smem:$0x3FB1]  }
0x2a: {  	p0 =	seq.s32 s5, $0x0;
	s5 =	sld [smem:$0x3FB2]  }
0x2b: {  	s6 =	sld [smem:$0x3FB3]  }
0x2c: {  	s7 =	sld [smem:$0x3FB4]  }
0x2d: {  	s3 =	simm.s32 $0x108;
	s8 =	sld [smem:$0x3FB5]  }
0x2e: {  	s3 =	simm.s32 @!p0 $0x1082;
	s9 =	sld [smem:$0x3FB6]  }
0x2f: {  	lr =	sadd.s32 s0, s3;
	s0 =	sld [smem:$0x3FAD]  }
0x30: {  	s3 =	sld [smem:$0x3FB0]  }
0x31: {  	[smem:$0x3FB9] =	sst s10  }
0x32: {  	s10 =	sld [smem:$0x3FB7];
	_ =	sdelay $0x3  }
0x33: {  	p0 =	seq.s32 s10, $0x1;
	s10 =	sld [smem:$0x3FB9];
	_ =	sdelay $0x3  }
0x34: {  	[smem:$0x3FB9] =	sst s10  }
0x35: {  	s10 =	sld [smem:$0x3FB8];
	_ =	sdelay $0x3  }
0x36: {  	p1 =	seq.s32 s10, $0x1;
	s10 =	sld [smem:$0x3FB9];
	_ =	sdelay $0x3  }
0x37: {  	[smem:$0x3FB9] =	sst s10  }
0x38: {  	s10 =	sld [smem:$0x3FBA]  }
0x39: {  	_ = 	snop;
	(pc) =	sbr.ind lr, $3  }
0x3a: {  	_ = 	snop  }
0x3b: {  	_ = 	snop  }
0x3c: {  	p2 =	seq.s32 s10, $0x1;
	s10 =	sld [smem:$0x3FB9]  }
0x3d: {  	_ =	shalt  }
0x3e: {  	_ =	shalt  }
0x3f: {  	_ =	shalt  }
0x40: {  	_ =	shalt  }
0x41: {  	_ =	shalt  }
0x42: {  	_ =	shalt  }
0x43: {  	_ =	shalt  }
0x44: {  	_ =	shalt  }
0x45: {  	_ =	shalt  }
0x46: {  	_ =	shalt  }
0x47: {  	_ =	shalt  }
0x48: {  	_ =	shalt  }
0x49: {  	_ =	shalt  }
0x4a: {  	_ =	shalt  }
0x4b: {  	_ =	shalt  }
0x4c: {  	_ =	shalt  }
0x4d: {  	_ =	shalt  }
0x4e: {  	_ =	shalt  }
0x4f: {  	_ =	shalt  }
0x50: {  	_ =	shalt  }
0x51: {  	_ =	shalt  }
0x52: {  	_ =	shalt  }
0x53: {  	_ =	shalt  }
0x54: {  	_ =	shalt  }
0x55: {  	_ =	shalt  }
0x56: {  	_ =	shalt  }
0x57: {  	_ =	shalt  }
0x58: {  	_ =	shalt  }
0x59: {  	_ =	shalt  }
0x5a: {  	_ =	shalt  }
0x5b: {  	_ =	shalt  }
0x5c: {  	_ =	shalt  }
0x5d: {  	_ =	shalt  }
0x5e: {  	_ =	shalt  }
0x5f: {  	_ =	shalt  }
0x60: {  	_ =	shalt  }
0x61: {  	_ =	shalt  }
0x62: {  	_ =	shalt  }
0x63: {  	_ =	shalt  }
0x64: {  	_ =	shalt  }
0x65: {  	_ =	shalt  }
0x66: {  	_ =	shalt  }
0x67: {  	_ =	shalt  }
0x68: {  	_ =	shalt  }
0x69: {  	_ =	shalt  }
0x6a: {  	_ =	shalt  }
0x6b: {  	_ =	shalt  }
0x6c: {  	_ =	shalt  }
0x6d: {  	_ =	shalt  }
0x6e: {  	_ =	shalt  }
0x6f: {  	_ =	shalt  }
0x70: {  	_ =	shalt  }
0x71: {  	_ =	shalt  }
0x72: {  	_ =	shalt  }
0x73: {  	_ =	shalt  }
0x74: {  	_ =	shalt  }
0x75: {  	_ =	shalt  }
0x76: {  	_ =	shalt  }
0x77: {  	_ =	shalt  }
0x78: {  	_ =	shalt  }
0x79: {  	_ =	shalt  }
0x7a: {  	_ =	shalt  }
0x7b: {  	_ =	shalt  }
0x7c: {  	_ =	shalt  }
0x7d: {  	_ =	shalt  }
0x7e: {  	_ =	shalt  }
0x7f: {  	_ =	shalt  }
0x80: {  	_ =	shalt  }
0x81: {  	_ =	shalt  }
0x82: {  	_ =	shalt  }
0x83: {  	_ =	shalt  }
0x84: {  	_ =	shalt  }
0x85: {  	_ =	shalt  }
0x86: {  	_ =	shalt  }
0x87: {  	_ =	shalt  }
.Lfunc_end0:
.L_simem_size_0:
called_computation_lowered:
.L_overlay_start_0:
0x88: {  	s2 =	sld [smem:$0x3FD9]  }
0x89: {  	s3 =	sld [smem:$0x3FFE];
	_ =	sdelay $0x1  }
0x8a: {  	s1 =	srdreg.scid  }
0x8b: {  	s0 =	sand.u32 $0x1, s1  }
0x8c: {  	s17 =	sshll.u32 s0, $0xA;
	s2 =	sadd.s32 s3, s2  }
0x8d: {  	s2 =	sadd.s32 s2, s17  }
0x8e: {  	[smem:$0x3FC5] =	sst s2  }
0x8f: {  	_ = 	snop  }
0x90: {  	s2 =	sld [smem:$0x3FD0];
	(tm) =	ssettm $0x1  }
0x91: {  	s18 =	sld [smem:$0x3FFB];
	_ =	sdelay $0x3  }
0x92: {  	_ =	strace s18  }
0x93: {  	s3 =	sld [smem:$0x3FFC];
	_ =	sdelay $0x3  }
0x94: {  	_ =	strace s3  }
0x95: {  	s3 =	sld [smem:$0x3FFD];
	_ =	sdelay $0x3  }
0x96: {  	_ =	strace s3  }
0x97: {  	_ =	strace $0x8FFFFFFF  }
0x98: {  	s19 =	sld [smem:$0x3FDB];
	_ =	sdelay $0x1  }
0x99: {  	s4 =	simm.s32 $_scs_section_size  }
0x9a: {  	s5 =	simm.s32 $_size__tile_overlayer_lowered;
	s6 =	simm.s32 $_tile_overlayer_lowered  }
0x9b: {  	s22 =	simm.s32 $0x1BFF;
	s21 =	sshll.u32 s6, $0x1;
	s3 =	sadd.s32 s4, s19  }
0x9c: {  	s7 =	simm.s32 $0x0;
	s20 =	sshll.u32 s5, $0x1;
	s5 =	sadd.s32 s21, s3  }
0x9d: {  	[timem:s7], [sflag:s22] =	dma.local [hbm:s5], s20  }
0x9e: {  	_ =	swait.ge [sflag:s22], s20  }
0x9f: {  	s4 =	ssub.s32 $0x0, s20;
	[sflag:s22] =	ssyncset.done $0x0  }
0xa0: {  	[sflag:s22] =	ssyncadd.s32 s4;
	_ =	sdelay $0x1  }
0xa1: {  	s23 =	simm.s32 $0x1B8B  }
0xa2: {  	_ =	swait.ge [sflag:s23], $0x1  }
0xa3: {  	[sflag:s23] =	ssyncset.done $0x0  }
0xa4: {  	s25 =	simm.s32 $0x1B8E;
	s24 =	sld [smem:$0x3FFE];
	[sflag:s23] =	ssyncadd.s32 $0xFFFFFFFF  }
0xa5: {  	s26 =	simm.s32 $execute0_lowered;
	[smem:$0x3FD2] =	sst s25  }
0xa6: {  	s5 =	sshll.u32 s26, $0x1;
	_ =	strace $0x80000046;
	[dreg:$0x1] =	wrdreg $0xFFFFFFFF  }
0xa7: {  	s28 =	simm.s32 $_size_execute0_lowered;
	s3 =	sadd.s32 s3, s5;
	[dreg:$0x0] =	wrdreg $0x0  }
0xa8: {  	s5 =	sshll.u32 s28, $0x1;
	[dreg:$0x2] =	wrdreg s3  }
0xa9: {  	[dreg:$0x3] =	wrdreg s5  }
0xaa: {  	[dreg:$0x4] =	wrdreg $0xC0  }
0xab: {  	_ =	task [dreg:s7], $0x5FFFF  }
0xac: {  	[dreg:$0x1] =	wrdreg $0xFFFFFFFF  }
0xad: {  	[dreg:$0x0] =	wrdreg $0x60  }
0xae: {  	[dreg:$0x2] =	wrdreg s2  }
0xaf: {  	[dreg:$0x3] =	wrdreg s24  }
0xb0: {  	[dreg:$0x4] =	wrdreg $0x9  }
0xb1: {  	_ =	task.clear_ibuf [dreg:s7], $0x5FFFF;
	_ =	strace $0x90000046  }
0xb2: {  	s29 =	simm.s32 $0x9;
	_ =	strace $0x80000048  }
0xb3: {  	_ =	swait.ge [sflag:s29], $0x1  }
0xb4: {  	[sflag:s29] =	ssyncadd.s32 $0xFFFFFFFF  }
0xb5: {  	_ =	strace $0x90000048  }
0xb6: {  	_ =	sfence  }
0xb7: {  	s30 =	sld [smem:$0x0];
	_ =	sdelay $0x2  }
0xb8: {  	s31 =	sshll.u32 s1, $0xD;
	s1 =	sshrl.u32 s1, $0x2  }
0xb9: {  	s3 =	sand.u32 $0x4000, s31;
	s1 =	sadd.s32 s1, s30  }
0xba: {  	s0 =	sor.u32 s3, s0;
	s1 =	sshll.u32 s1, $0x11  }
0xbb: {  	s0 =	sor.u32 s1, s0  }
0xbc: {  	s0 =	sadd.s32 $0x8F2B, s0  }
0xbd: {  	[sflag:s0] =	ssyncadd.remote.s32 $0x1  }
0xbe: {  	_ =	sfence.sel $0xFFFF  }
0xbf: {  	[dreg:$0x0] =	wrdreg $0xFFFFFFFF;
	(pc) =	sbr.abs _section_cstart, $3  }
0xc0: {  	[dreg:$0x1] =	wrdreg $0xFFFFFFFF  }
0xc1: {  	_ =	task.clear_ibuf [dreg:s7], $0x2FFFF;
	_ =	strace $0x9FFFFFFF  }
0xc2: {  	(tm) =	ssettm $0x7FFFFFFF  }
0xc3: {  	_ =	shalt  }
tec
execute0_lowered:
.L_overlay_start_1:
0x0: {  	(tag) =	ssettag $0x1  }
0x1: {  	s0 =	rddreg [dreg:$0x0]  }
0x2: {  	s2 =	rddreg [dreg:$0x1]  }
0x3: {  	s1 =	simm.s32 $0x0;
	s5 =	srdreg.scid;
	s7 =	stileid.u32  }
0x4: {  	[smem:$0x7FF] =	sst s1;
	s3 =	sadd.s32 $0x16E4000, s2;
	s4 =	sadd.s32 $0xF42E00, s2  }
0x5: {  	s6 =	sand.u32 $0x1, s5;
	s7 =	sshll.u32 s7, $0x1;
	s5 =	sadd.s32 $0xA00, s2  }
0x6: {  	_ =	strace $0x80000047;
	s8 =	ssub.s32 $0x2, s6;
	s7 =	sor.u32 s6, s7  }
0x7: {  	s6 =	sadd.s32 $0x190A00, s2;
	s10 =	sshrl.u32 s8, $0x1;
	s9 =	sshll.u32 s7, $0x4  }
0x8: {  	s2 =	ssub.s32 s8, s10;
	s0 =	sadd.s32 s0, s9;
	s8 =	sshll.u32 s7, $0x7  }
0x9: {  	[dreg:$0x3] =	wrdreg s0;
	s2 =	smax.u32 s2, $0x1;
	s12 =	sor.u32 $0x1000, s8  }
0xa: {  	[dreg:$0x4] =	wrdreg s2;
	s13 =	sadd.s32 s5, s12  }
0xb: {  	s14 =	sor.u32 $0x2000, s8;
	s2 =	sadd.s32 s6, s12;
	[dreg:$0x5] =	wrdreg s13  }
0xc: {  	s16 =	sor.u32 $0x3000, s8;
	s15 =	sadd.s32 s5, s14;
	[dreg:$0x6] =	wrdreg s2  }
0xd: {  	s18 =	sor.u32 $0x4000, s8;
	s17 =	sadd.s32 s5, s16;
	[dreg:$0x7] =	wrdreg s15  }
0xe: {  	s20 =	sor.u32 $0x5000, s8;
	s19 =	sadd.s32 s5, s18;
	[dreg:$0x9] =	wrdreg s17  }
0xf: {  	s22 =	sor.u32 $0x6000, s8;
	s21 =	sadd.s32 s5, s20;
	[dreg:$0xb] =	wrdreg s19  }
0x10: {  	s24 =	sor.u32 $0x7000, s8;
	s23 =	sadd.s32 s5, s22;
	[dreg:$0xd] =	wrdreg s21  }
0x11: {  	s11 =	sor.u32 $0x8000, s8;
	s25 =	sadd.s32 s5, s24;
	[dreg:$0xf] =	wrdreg s23  }
0x12: {  	s31 =	sadd.s32 s5, s11;
	[dreg:$0x11] =	wrdreg s25  }
0x13: {  	s26 =	sor.u32 $0x9000, s8;
	s0 =	sadd.s32 s6, s11;
	[dreg:$0x13] =	wrdreg s31  }
0x14: {  	s7 =	sadd.s32 s5, s26;
	[dreg:$0x14] =	wrdreg s0  }
0x15: {  	s10 =	sor.u32 $0xA000, s8;
	s9 =	sadd.s32 s6, s26;
	[dreg:$0x15] =	wrdreg s7  }
0x16: {  	s12 =	sadd.s32 s5, s10;
	[dreg:$0x16] =	wrdreg s9  }
0x17: {  	s2 =	sadd.s32 s6, s14;
	[dreg:$0x17] =	wrdreg s12  }
0x18: {  	s11 =	sor.u32 $0xB000, s8;
	s0 =	sadd.s32 s6, s10;
	[dreg:$0x8] =	wrdreg s2  }
0x19: {  	s13 =	sadd.s32 s5, s11;
	[dreg:$0x18] =	wrdreg s0  }
0x1a: {  	s26 =	sor.u32 $0x181000, s8;
	s14 =	sadd.s32 s6, s11;
	[dreg:$0x19] =	wrdreg s13  }
0x1b: {  	s7 =	sadd.s32 s5, s26;
	[dreg:$0x1a] =	wrdreg s14  }
0x1c: {  	s9 =	sadd.s32 s6, s26;
	[smem:$0x7DE] =	sst s7  }
0x1d: {  	s15 =	sor.u32 $0xC000, s8;
	s2 =	sadd.s32 s6, s16;
	[smem:$0x7DF] =	sst s9  }
0x1e: {  	s17 =	sadd.s32 s5, s15;
	[dreg:$0xa] =	wrdreg s2  }
0x1f: {  	s21 =	sor.u32 $0xF000, s8;
	s0 =	sadd.s32 s6, s15;
	[dreg:$0x1b] =	wrdreg s17  }
0x20: {  	s25 =	sor.u32 $0x180000, s8;
	s23 =	sadd.s32 s5, s21;
	[dreg:$0x1c] =	wrdreg s0  }
0x21: {  	s10 =	sor.u32 $0x182000, s8;
	s31 =	sadd.s32 s5, s25;
	[smem:$0x7DA] =	sst s23  }
0x22: {  	s11 =	sor.u32 $0x183000, s8;
	s12 =	sadd.s32 s5, s10;
	[smem:$0x7DC] =	sst s31  }
0x23: {  	s13 =	sadd.s32 s5, s11;
	[smem:$0x7E0] =	sst s12  }
0x24: {  	s26 =	sor.u32 $0x189000, s8;
	s14 =	sadd.s32 s6, s11;
	[smem:$0x7E2] =	sst s13  }
0x25: {  	s9 =	sadd.s32 s5, s26;
	[smem:$0x7E3] =	sst s14  }
0x26: {  	s16 =	sor.u32 $0xD000, s8;
	s2 =	sadd.s32 s6, s18;
	[smem:$0x7EE] =	sst s9  }
0x27: {  	s18 =	sadd.s32 s5, s16;
	[dreg:$0xc] =	wrdreg s2  }
0x28: {  	s15 =	sor.u32 $0x184000, s8;
	s19 =	sadd.s32 s6, s16;
	[dreg:$0x1d] =	wrdreg s18  }
0x29: {  	s11 =	sor.u32 $0x18A000, s8;
	s17 =	sadd.s32 s5, s15;
	[dreg:$0x1e] =	wrdreg s19  }
0x2a: {  	s13 =	sadd.s32 s5, s11;
	[smem:$0x7E4] =	sst s17  }
0x2b: {  	s16 =	sor.u32 $0x185000, s8;
	s2 =	sadd.s32 s6, s20;
	[smem:$0x7F0] =	sst s13  }
0x2c: {  	s18 =	sadd.s32 s5, s16;
	[dreg:$0xe] =	wrdreg s2  }
0x2d: {  	s12 =	sor.u32 $0x18B000, s8;
	s19 =	sadd.s32 s6, s16;
	[smem:$0x7E6] =	sst s18  }
0x2e: {  	s14 =	sadd.s32 s5, s12;
	[smem:$0x7E7] =	sst s19  }
0x2f: {  	s20 =	sor.u32 $0xE000, s8;
	s2 =	sadd.s32 s6, s22;
	[smem:$0x7F2] =	sst s14  }
0x30: {  	s22 =	sadd.s32 s5, s20;
	[dreg:$0x10] =	wrdreg s2  }
0x31: {  	s16 =	sor.u32 $0x18C000, s8;
	s0 =	sadd.s32 s6, s20;
	[dreg:$0x1f] =	wrdreg s22  }
0x32: {  	s17 =	sor.u32 $0x18D000, s8;
	s18 =	sadd.s32 s5, s16;
	[smem:$0x7D9] =	sst s0  }
0x33: {  	s19 =	sadd.s32 s5, s17;
	[smem:$0x7F4] =	sst s18  }
0x34: {  	s29 =	simm.s32 $0x1;
	s2 =	sadd.s32 s6, s24;
	[smem:$0x7F6] =	sst s19  }
0x35: {  	s30 =	simm.s32 $0x3;
	s24 =	sadd.s32 s6, s21;
	[dreg:$0x12] =	wrdreg s2  }
0x36: {  	s20 =	sor.u32 $0x186000, s8;
	s0 =	sadd.s32 s6, s25;
	[smem:$0x7DB] =	sst s24  }
0x37: {  	s28 =	simm.s32 $0xF900;
	s22 =	sadd.s32 s5, s20;
	[smem:$0x7DD] =	sst s0  }
0x38: {  	s21 =	sor.u32 $0x187000, s8;
	s0 =	sadd.s32 s6, s10;
	[smem:$0x7E8] =	sst s22  }
0x39: {  	s7 =	simm.s32 $0xD900;
	s23 =	sadd.s32 s5, s21;
	[smem:$0x7E1] =	sst s0  }
0x3a: {  	s25 =	sor.u32 $0x188000, s8;
	s24 =	sadd.s32 s6, s21;
	[smem:$0x7EA] =	sst s23  }
0x3b: {  	s9 =	simm.s32 $0x0;
	s31 =	sadd.s32 s5, s25;
	[smem:$0x7EB] =	sst s24  }
0x3c: {  	s14 =	simm.s32 $0x10900;
	s10 =	sadd.s32 s6, s26;
	[smem:$0x7EC] =	sst s31  }
0x3d: {  	s18 =	simm.s32 $0x11100;
	s26 =	sadd.s32 s5, s8;
	[smem:$0x7EF] =	sst s10  }
0x3e: {  	s19 =	simm.s32 $0xD500;
	s0 =	sadd.s32 s6, s15;
	[smem:$0x7FC] =	sst s26  }
0x3f: {  	s21 =	sor.u32 $0x18E000, s8;
	s15 =	sadd.s32 s6, s12;
	[smem:$0x7E5] =	sst s0  }
0x40: {  	s22 =	sor.u32 $0x18F000, s8;
	s23 =	sadd.s32 s5, s21;
	[smem:$0x7F3] =	sst s15  }
0x41: {  	s2 =	simm.s32 $0x9900;
	s24 =	sadd.s32 s5, s22;
	[smem:$0x7F8] =	sst s23  }
0x42: {  	s31 =	sadd.s32 s6, s8;
	s26 =	simm.s32 $0xB900;
	[smem:$0x7FA] =	sst s24  }
0x43: {  	s0 =	sadd.s32 s6, s20;
	s20 =	sadd.s32 s6, s17;
	[smem:$0x7FD] =	sst s31  }
0x44: {  	s24 =	simm.s32 $0x80;
	s23 =	simm.s32 $0x2;
	[smem:$0x7E9] =	sst s0  }
0x45: {  	s15 =	simm.s32 $0xCD00;
	s0 =	sadd.s32 s6, s25;
	[smem:$0x7F7] =	sst s20  }
0x46: {  	s17 =	simm.s32 $0xD100;
	s25 =	sadd.s32 s6, s22;
	[smem:$0x7ED] =	sst s0  }
0x47: {  	v0 =	vlaneseq.u32;
	s20 =	simm.s32 $0x11500;
	s0 =	sadd.s32 s6, s11;
	[smem:$0x7FB] =	sst s25  }
0x48: {  	v0 =	vmul.u32 $0x80, v0;
	s22 =	simm.s32 $0x6;
	[smem:$0x7F1] =	sst s0;
	s0 =	sadd.s32 s6, s16  }
0x49: {  	s25 =	simm.s32 $0x4;
	[smem:$0x7F5] =	sst s0;
	s0 =	sadd.s32 s6, s21  }
0x4a: {  	v1 =	vor.u32 $0x800, v0;
	v2 =	vor.u32 $0x1000, v0;
	v3 =	vor.u32 $0x1800, v0;
	s16 =	simm.s32 $0x10D00;
	s21 =	simm.s32 $0x5;
	[smem:$0x7F9] =	sst s0  }
.LBB2_1:
0x4b: {  	[smem:$0x7D8] =	sst s9  }
0x4c: {  	s0 =	rddreg [dreg:$0x3];
	s31 =	simm.s32 $0x1000;
	s9 =	simm.s32 $0x7  }
0x4d: {  	[tilespmem:s1], [sflag:$0x7] =	stream.strided.gather [hbm4b:s0+s24], $0x1900, s31, s24, $0x38;
	[tilespmem:$0x11900] =	vst v63  }
0x4e: {  	_ =	swait.ge [sflag:s9], $0x1900  }
0x4f: {  	[sflag:s9] =	ssyncset.done $0x0  }
0x50: {  	s10 =	simm.s32 $0x1900;
	[sflag:s9] =	ssyncadd.s32 $0xFFFFE700  }
0x51: {  	[tilespmem:s10], [sflag:$0x1] =	stream.indirect.gather [hbm4b:s3+s24], $0x40, s1, s24, $0xb8;
	[tilespmem:$0x11900] =	vst v63  }
0x52: {  	s11 =	simm.s32 $0x5900  }
0x53: {  	[tilespmem:s11], [sflag:$0x3] =	stream.indirect.gather [hbm4b:s4+s24], $0x40, s1, s24, $0xb8;
	[tilespmem:$0x11900] =	vst v63  }
0x54: {  	_ =	swait.ge [sflag:s29], $0x2000  }
0x55: {  	[sflag:s29] =	ssyncset.done $0x0  }
0x56: {  	[sflag:s29] =	ssyncadd.s32 $0xFFFFE000  }
0x57: {  	_ =	swait.ge [sflag:s30], $0x2000  }
0x58: {  	[sflag:s30] =	ssyncset.done $0x0  }
0x59: {  	s12 =	simm.s32 $0x3900;
	[sflag:s30] =	ssyncadd.s32 $0xFFFFE000  }
0x5a: {  	[tilespmem:s12], [sflag:$0x2] =	stream.indirect.gather [hbm4b:s3+s24], $0x40, s24, s24, $0xb8;
	[tilespmem:$0x11900] =	vst v63  }
0x5b: {  	s13 =	simm.s32 $0x7900;
	s31 =	simm.s32 $0x1920  }
0x5c: {  	[tilespmem:s13], [sflag:$0x4] =	stream.indirect.gather [hbm4b:s4+s24], $0x40, s24, s24, $0xb8;
	[tilespmem:$0x11900] =	vst v63  }
0x5d: {  	v4 =	vor.u32 s1, v0;
	v5 =	vld [tilespmem:s31+$0xFFFFFFE0];
	_ =	sdelay $0x4  }
0x5e: {  	s0 =	simm.s32 $0x5920;
	[tilespmem:v4+s2+$0x0] =	vst.idx.msk $0xffff, v5  }
0x5f: {  	v5 =	vld [tilespmem:s0+$0xFFFFFFE0];
	_ =	sdelay $0x4  }
0x60: {  	[tilespmem:v4+s7+$0x0] =	vst.idx.msk $0xffff, v5  }
0x61: {  	v4 =	vor.u32 s1, v1;
	v5 =	vld [tilespmem:s31+$0xFFFFFFF0];
	_ =	sdelay $0x4  }
0x62: {  	[tilespmem:v4+s2+$0x0] =	vst.idx.msk $0xffff, v5  }
0x63: {  	v5 =	vld [tilespmem:s0+$0xFFFFFFF0];
	_ =	sdelay $0x4  }
0x64: {  	[tilespmem:v4+s7+$0x0] =	vst.idx.msk $0xffff, v5  }
0x65: {  	v4 =	vor.u32 s1, v2;
	v5 =	vld [tilespmem:s31+$0x0];
	_ =	sdelay $0x4  }
0x66: {  	[tilespmem:v4+s2+$0x0] =	vst.idx.msk $0xffff, v5  }
0x67: {  	v5 =	vld [tilespmem:s0+$0x0];
	_ =	sdelay $0x4  }
0x68: {  	[tilespmem:v4+s7+$0x0] =	vst.idx.msk $0xffff, v5  }
0x69: {  	v4 =	vor.u32 s1, v3;
	v5 =	vld [tilespmem:s31+$0x10];
	_ =	sdelay $0x4  }
0x6a: {  	[tilespmem:v4+s2+$0x0] =	vst.idx.msk $0xffff, v5  }
0x6b: {  	v5 =	vld [tilespmem:s0+$0x10];
	_ =	sdelay $0x4  }
0x6c: {  	s9 =	simm.s32 $0x1960;
	s10 =	simm.s32 $0x1;
	[tilespmem:v4+s7+$0x0] =	vst.idx.msk $0xffff, v5  }
0x6d: {  	s11 =	simm.s32 $0x2;
	v4 =	vor.u32 s10, v0;
	v5 =	vld [tilespmem:s9+$0xFFFFFFE0]  }
.LBB2_2:
0x6e: {  	p0 =	sne.s32 s11, $0x7F;
	_ =	sdelay $0x3  }
0x6f: {  	s0 =	sadd.s32 $0x40, s0;
	[tilespmem:v4+s2+$0x0] =	vst.idx.msk $0xffff, v5  }
0x70: {  	v5 =	vld [tilespmem:s0+$0xFFFFFFE0];
	_ =	sdelay $0x4  }
0x71: {  	[tilespmem:v4+s7+$0x0] =	vst.idx.msk $0xffff, v5  }
0x72: {  	v4 =	vor.u32 s10, v1;
	v5 =	vld [tilespmem:s9+$0xFFFFFFF0];
	_ =	sdelay $0x4  }
0x73: {  	[tilespmem:v4+s2+$0x0] =	vst.idx.msk $0xffff, v5  }
0x74: {  	v5 =	vld [tilespmem:s0+$0xFFFFFFF0];
	_ =	sdelay $0x4  }
0x75: {  	[tilespmem:v4+s7+$0x0] =	vst.idx.msk $0xffff, v5  }
0x76: {  	v4 =	vor.u32 s10, v2;
	v5 =	vld [tilespmem:s9+$0x0];
	_ =	sdelay $0x4  }
0x77: {  	[tilespmem:v4+s2+$0x0] =	vst.idx.msk $0xffff, v5  }
0x78: {  	v5 =	vld [tilespmem:s0+$0x0];
	_ =	sdelay $0x4  }
0x79: {  	[tilespmem:v4+s7+$0x0] =	vst.idx.msk $0xffff, v5  }
0x7a: {  	v4 =	vor.u32 s10, v3;
	s10 =	smov.u32 s11;
	v5 =	vld [tilespmem:s9+$0x10];
	_ =	sdelay $0x4  }
0x7b: {  	[tilespmem:v4+s2+$0x0] =	vst.idx.msk $0xffff, v5  }
0x7c: {  	v5 =	vld [tilespmem:s0+$0x10];
	_ =	sdelay $0x1  }
.Ltmp0:
0x7d: {  	(pc) =	sbr.rel @p0 .LBB2_2-.Ltmp0, $3  }
0x7e: {  	_ =	sdelay $0x1  }
0x7f: {  	s9 =	sadd.s32 $0x40, s9;
	[tilespmem:v4+s7+$0x0] =	vst.idx.msk $0xffff, v5  }
0x80: {  	s11 =	sadd.s32 $0x1, s11;
	v4 =	vor.u32 s10, v0;
	v5 =	vld [tilespmem:s9+$0xFFFFFFE0]  }
0x81: {  	_ =	sdelay $0x3  }
0x82: {  	s0 =	sadd.s32 $0x40, s0;
	[tilespmem:v4+s2+$0x0] =	vst.idx.msk $0xffff, v5  }
0x83: {  	v5 =	vld [tilespmem:s0+$0xFFFFFFE0];
	_ =	sdelay $0x4  }
0x84: {  	[tilespmem:v4+s7+$0x0] =	vst.idx.msk $0xffff, v5  }
0x85: {  	v4 =	vor.u32 s10, v1;
	v5 =	vld [tilespmem:s9+$0xFFFFFFF0];
	_ =	sdelay $0x4  }
0x86: {  	[tilespmem:v4+s2+$0x0] =	vst.idx.msk $0xffff, v5  }
0x87: {  	v5 =	vld [tilespmem:s0+$0xFFFFFFF0];
	_ =	sdelay $0x4  }
0x88: {  	[tilespmem:v4+s7+$0x0] =	vst.idx.msk $0xffff, v5  }
0x89: {  	v4 =	vor.u32 s10, v2;
	v5 =	vld [tilespmem:s9+$0x0];
	_ =	sdelay $0x4  }
0x8a: {  	[tilespmem:v4+s2+$0x0] =	vst.idx.msk $0xffff, v5  }
0x8b: {  	v5 =	vld [tilespmem:s0+$0x0];
	_ =	sdelay $0x4  }
0x8c: {  	[tilespmem:v4+s7+$0x0] =	vst.idx.msk $0xffff, v5  }
0x8d: {  	v4 =	vor.u32 s10, v3;
	v5 =	vld [tilespmem:s9+$0x10];
	_ =	sdelay $0x4  }
0x8e: {  	[tilespmem:v4+s2+$0x0] =	vst.idx.msk $0xffff, v5  }
0x8f: {  	v5 =	vld [tilespmem:s0+$0x10];
	_ =	sdelay $0x2  }
0x90: {  	s31 =	sld [smem:$0x7FC];
	_ =	sdelay $0x1  }
0x91: {  	s10 =	sld [smem:$0x7FD];
	s9 =	simm.s32 $0x0;
	[tilespmem:v4+s7+$0x0] =	vst.idx.msk $0xffff, v5  }
0x92: {  	[hbm4b:s31+s9] =	stream.linear.scatter [tilespmem:s2], [sflag:$0x5], $0x400, $0x38;
	[tilespmem:$0x11900] =	vst v63  }
0x93: {  	_ = 	snop  }
0x94: {  	[hbm4b:s10+s9] =	stream.linear.scatter [tilespmem:s7], [sflag:$0x5], $0x400, $0x38;
	[tilespmem:$0x11900] =	vst v63  }
0x95: {  	s11 =	rddreg [dreg:$0x5];
	s12 =	simm.s32 $0x9D00  }
0x96: {  	[hbm4b:s11+s9] =	stream.linear.scatter [tilespmem:s12], [sflag:$0x5], $0x400, $0x38;
	[tilespmem:$0x11900] =	vst v63  }
0x97: {  	s13 =	rddreg [dreg:$0x6];
	s31 =	simm.s32 $0xDD00  }
0x98: {  	[hbm4b:s13+s9] =	stream.linear.scatter [tilespmem:s31], [sflag:$0x5], $0x400, $0x38;
	[tilespmem:$0x11900] =	vst v63  }
0x99: {  	s11 =	rddreg [dreg:$0x7];
	s12 =	simm.s32 $0xA100  }
0x9a: {  	[hbm4b:s11+s9] =	stream.linear.scatter [tilespmem:s12], [sflag:$0x5], $0x400, $0x38;
	[tilespmem:$0x11900] =	vst v63  }
0x9b: {  	s13 =	rddreg [dreg:$0x8];
	s31 =	simm.s32 $0xE100  }
0x9c: {  	[hbm4b:s13+s9] =	stream.linear.scatter [tilespmem:s31], [sflag:$0x5], $0x400, $0x38;
	[tilespmem:$0x11900] =	vst v63  }
0x9d: {  	s11 =	rddreg [dreg:$0x9];
	s12 =	simm.s32 $0xA500  }
0x9e: {  	[hbm4b:s11+s9] =	stream.linear.scatter [tilespmem:s12], [sflag:$0x5], $0x400, $0x38;
	[tilespmem:$0x11900] =	vst v63  }
0x9f: {  	s13 =	rddreg [dreg:$0xa];
	s31 =	simm.s32 $0xE500  }
0xa0: {  	[hbm4b:s13+s9] =	stream.linear.scatter [tilespmem:s31], [sflag:$0x5], $0x400, $0x38;
	[tilespmem:$0x11900] =	vst v63  }
0xa1: {  	s11 =	rddreg [dreg:$0xb];
	s12 =	simm.s32 $0xA900  }
0xa2: {  	[hbm4b:s11+s9] =	stream.linear.scatter [tilespmem:s12], [sflag:$0x5], $0x400, $0x38;
	[tilespmem:$0x11900] =	vst v63  }
0xa3: {  	s13 =	rddreg [dreg:$0xc];
	s31 =	simm.s32 $0xE900  }
0xa4: {  	[hbm4b:s13+s9] =	stream.linear.scatter [tilespmem:s31], [sflag:$0x5], $0x400, $0x38;
	[tilespmem:$0x11900] =	vst v63  }
0xa5: {  	s11 =	rddreg [dreg:$0xd];
	s12 =	simm.s32 $0xAD00  }
0xa6: {  	[hbm4b:s11+s9] =	stream.linear.scatter [tilespmem:s12], [sflag:$0x5], $0x400, $0x38;
	[tilespmem:$0x11900] =	vst v63  }
0xa7: {  	s13 =	rddreg [dreg:$0xe];
	s31 =	simm.s32 $0xED00  }
0xa8: {  	[hbm4b:s13+s9] =	stream.linear.scatter [tilespmem:s31], [sflag:$0x5], $0x400, $0x38;
	[tilespmem:$0x11900] =	vst v63  }
0xa9: {  	s11 =	rddreg [dreg:$0xf];
	s12 =	simm.s32 $0xB100  }
0xaa: {  	[hbm4b:s11+s9] =	stream.linear.scatter [tilespmem:s12], [sflag:$0x5], $0x400, $0x38;
	[tilespmem:$0x11900] =	vst v63  }
0xab: {  	s13 =	rddreg [dreg:$0x10];
	s31 =	simm.s32 $0xF100  }
0xac: {  	[hbm4b:s13+s9] =	stream.linear.scatter [tilespmem:s31], [sflag:$0x5], $0x400, $0x38;
	[tilespmem:$0x11900] =	vst v63  }
0xad: {  	s11 =	rddreg [dreg:$0x11];
	s12 =	simm.s32 $0xB500  }
0xae: {  	[hbm4b:s11+s9] =	stream.linear.scatter [tilespmem:s12], [sflag:$0x5], $0x400, $0x38;
	[tilespmem:$0x11900] =	vst v63  }
0xaf: {  	s13 =	rddreg [dreg:$0x12];
	s31 =	simm.s32 $0xF500  }
0xb0: {  	[hbm4b:s13+s9] =	stream.linear.scatter [tilespmem:s31], [sflag:$0x5], $0x400, $0x38;
	[tilespmem:$0x11900] =	vst v63  }
0xb1: {  	_ =	swait.ge [sflag:s23], $0x2000  }
0xb2: {  	[sflag:s23] =	ssyncset.done $0x0  }
0xb3: {  	[sflag:s23] =	ssyncadd.s32 $0xFFFFE000  }
0xb4: {  	_ =	swait.ge [sflag:s25], $0x2000  }
0xb5: {  	[sflag:s25] =	ssyncset.done $0x0  }
0xb6: {  	s11 =	simm.s32 $0x1900;
	s12 =	simm.s32 $0x100;
	[sflag:s25] =	ssyncadd.s32 $0xFFFFE000  }
0xb7: {  	[tilespmem:s11], [sflag:$0x1] =	stream.indirect.gather [hbm4b:s3+s24], $0x40, s12, s24, $0xb8;
	[tilespmem:$0x11900] =	vst v63  }
0xb8: {  	s13 =	simm.s32 $0x5900;
	s31 =	simm.s32 $0x3920  }
0xb9: {  	[tilespmem:s13], [sflag:$0x3] =	stream.indirect.gather [hbm4b:s4+s24], $0x40, s12, s24, $0xb8;
	[tilespmem:$0x11900] =	vst v63  }
0xba: {  	v4 =	vor.u32 s9, v0;
	v5 =	vld [tilespmem:s31+$0xFFFFFFE0];
	_ =	sdelay $0x4  }
0xbb: {  	s0 =	simm.s32 $0x7920;
	[tilespmem:v4+s26+$0x0] =	vst.idx.msk $0xffff, v5  }
0xbc: {  	v5 =	vld [tilespmem:s0+$0xFFFFFFE0];
	_ =	sdelay $0x4  }
0xbd: {  	[tilespmem:v4+s28+$0x0] =	vst.idx.msk $0xffff, v5  }
0xbe: {  	v4 =	vor.u32 s9, v1;
	v5 =	vld [tilespmem:s31+$0xFFFFFFF0];
	_ =	sdelay $0x4  }
0xbf: {  	[tilespmem:v4+s26+$0x0] =	vst.idx.msk $0xffff, v5  }
0xc0: {  	v5 =	vld [tilespmem:s0+$0xFFFFFFF0];
	_ =	sdelay $0x4  }
0xc1: {  	[tilespmem:v4+s28+$0x0] =	vst.idx.msk $0xffff, v5  }
0xc2: {  	v4 =	vor.u32 s9, v2;
	v5 =	vld [tilespmem:s31+$0x0];
	_ =	sdelay $0x4  }
0xc3: {  	[tilespmem:v4+s26+$0x0] =	vst.idx.msk $0xffff, v5  }
0xc4: {  	v5 =	vld [tilespmem:s0+$0x0];
	_ =	sdelay $0x4  }
0xc5: {  	[tilespmem:v4+s28+$0x0] =	vst.idx.msk $0xffff, v5  }
0xc6: {  	v4 =	vor.u32 s9, v3;
	v5 =	vld [tilespmem:s31+$0x10];
	_ =	sdelay $0x4  }
0xc7: {  	[tilespmem:v4+s26+$0x0] =	vst.idx.msk $0xffff, v5  }
0xc8: {  	v5 =	vld [tilespmem:s0+$0x10];
	_ =	sdelay $0x4  }
0xc9: {  	s10 =	simm.s32 $0x1;
	s9 =	simm.s32 $0x3960;
	[tilespmem:v4+s28+$0x0] =	vst.idx.msk $0xffff, v5  }
0xca: {  	s11 =	simm.s32 $0x2;
	v4 =	vor.u32 s10, v0;
	v5 =	vld [tilespmem:s9+$0xFFFFFFE0]  }
.LBB2_4:
0xcb: {  	p0 =	sne.s32 s11, $0x7F;
	_ =	sdelay $0x3  }
0xcc: {  	s0 =	sadd.s32 $0x40, s0;
	[tilespmem:v4+s26+$0x0] =	vst.idx.msk $0xffff, v5  }
0xcd: {  	v5 =	vld [tilespmem:s0+$0xFFFFFFE0];
	_ =	sdelay $0x4  }
0xce: {  	[tilespmem:v4+s28+$0x0] =	vst.idx.msk $0xffff, v5  }
0xcf: {  	v4 =	vor.u32 s10, v1;
	v5 =	vld [tilespmem:s9+$0xFFFFFFF0];
	_ =	sdelay $0x4  }
0xd0: {  	[tilespmem:v4+s26+$0x0] =	vst.idx.msk $0xffff, v5  }
0xd1: {  	v5 =	vld [tilespmem:s0+$0xFFFFFFF0];
	_ =	sdelay $0x4  }
0xd2: {  	[tilespmem:v4+s28+$0x0] =	vst.idx.msk $0xffff, v5  }
0xd3: {  	v4 =	vor.u32 s10, v2;
	v5 =	vld [tilespmem:s9+$0x0];
	_ =	sdelay $0x4  }
0xd4: {  	[tilespmem:v4+s26+$0x0] =	vst.idx.msk $0xffff, v5  }
0xd5: {  	v5 =	vld [tilespmem:s0+$0x0];
	_ =	sdelay $0x4  }
0xd6: {  	[tilespmem:v4+s28+$0x0] =	vst.idx.msk $0xffff, v5  }
0xd7: {  	v4 =	vor.u32 s10, v3;
	s10 =	smov.u32 s11;
	v5 =	vld [tilespmem:s9+$0x10];
	_ =	sdelay $0x4  }
0xd8: {  	[tilespmem:v4+s26+$0x0] =	vst.idx.msk $0xffff, v5  }
0xd9: {  	v5 =	vld [tilespmem:s0+$0x10];
	_ =	sdelay $0x1  }
.Ltmp1:
0xda: {  	(pc) =	sbr.rel @p0 .LBB2_4-.Ltmp1, $3  }
0xdb: {  	_ =	sdelay $0x1  }
0xdc: {  	s9 =	sadd.s32 $0x40, s9;
	[tilespmem:v4+s28+$0x0] =	vst.idx.msk $0xffff, v5  }
0xdd: {  	s11 =	sadd.s32 $0x1, s11;
	v4 =	vor.u32 s10, v0;
	v5 =	vld [tilespmem:s9+$0xFFFFFFE0]  }
0xde: {  	_ =	sdelay $0x3  }
0xdf: {  	s0 =	sadd.s32 $0x40, s0;
	[tilespmem:v4+s26+$0x0] =	vst.idx.msk $0xffff, v5  }
0xe0: {  	v5 =	vld [tilespmem:s0+$0xFFFFFFE0];
	_ =	sdelay $0x4  }
0xe1: {  	[tilespmem:v4+s28+$0x0] =	vst.idx.msk $0xffff, v5  }
0xe2: {  	v4 =	vor.u32 s10, v1;
	v5 =	vld [tilespmem:s9+$0xFFFFFFF0];
	_ =	sdelay $0x4  }
0xe3: {  	[tilespmem:v4+s26+$0x0] =	vst.idx.msk $0xffff, v5  }
0xe4: {  	v5 =	vld [tilespmem:s0+$0xFFFFFFF0];
	_ =	sdelay $0x4  }
0xe5: {  	[tilespmem:v4+s28+$0x0] =	vst.idx.msk $0xffff, v5  }
0xe6: {  	v4 =	vor.u32 s10, v2;
	v5 =	vld [tilespmem:s9+$0x0];
	_ =	sdelay $0x4  }
0xe7: {  	[tilespmem:v4+s26+$0x0] =	vst.idx.msk $0xffff, v5  }
0xe8: {  	v5 =	vld [tilespmem:s0+$0x0];
	_ =	sdelay $0x4  }
0xe9: {  	[tilespmem:v4+s28+$0x0] =	vst.idx.msk $0xffff, v5  }
0xea: {  	v4 =	vor.u32 s10, v3;
	v5 =	vld [tilespmem:s9+$0x10];
	_ =	sdelay $0x4  }
0xeb: {  	[tilespmem:v4+s26+$0x0] =	vst.idx.msk $0xffff, v5  }
0xec: {  	v5 =	vld [tilespmem:s0+$0x10];
	_ =	sdelay $0x3  }
0xed: {  	s13 =	rddreg [dreg:$0x13]  }
0xee: {  	s12 =	rddreg [dreg:$0x16];
	[tilespmem:v4+s28+$0x0] =	vst.idx.msk $0xffff, v5  }
0xef: {  	[hbm4b:s13+s1] =	stream.linear.scatter [tilespmem:s26], [sflag:$0x6], $0x400, $0x38;
	[tilespmem:$0x11900] =	vst v63  }
0xf0: {  	s9 =	rddreg [dreg:$0x14]  }
0xf1: {  	[hbm4b:s9+s1] =	stream.linear.scatter [tilespmem:s28], [sflag:$0x6], $0x400, $0x38;
	[tilespmem:$0x11900] =	vst v63  }
0xf2: {  	s11 =	simm.s32 $0xBD00;
	s10 =	rddreg [dreg:$0x15]  }
0xf3: {  	[hbm4b:s10+s1] =	stream.linear.scatter [tilespmem:s11], [sflag:$0x6], $0x400, $0x38;
	[tilespmem:$0x11900] =	vst v63  }
0xf4: {  	s13 =	simm.s32 $0xFD00;
	s9 =	rddreg [dreg:$0x1e]  }
0xf5: {  	[hbm4b:s12+s1] =	stream.linear.scatter [tilespmem:s13], [sflag:$0x6], $0x400, $0x38;
	[tilespmem:$0x11900] =	vst v63  }
0xf6: {  	s10 =	rddreg [dreg:$0x17];
	s11 =	simm.s32 $0xC100  }
0xf7: {  	[hbm4b:s10+s1] =	stream.linear.scatter [tilespmem:s11], [sflag:$0x6], $0x400, $0x38;
	[tilespmem:$0x11900] =	vst v63  }
0xf8: {  	s12 =	rddreg [dreg:$0x18];
	s13 =	simm.s32 $0x10100  }
0xf9: {  	[hbm4b:s12+s1] =	stream.linear.scatter [tilespmem:s13], [sflag:$0x6], $0x400, $0x38;
	[tilespmem:$0x11900] =	vst v63  }
0xfa: {  	s10 =	rddreg [dreg:$0x19];
	s11 =	simm.s32 $0xC500  }
0xfb: {  	[hbm4b:s10+s1] =	stream.linear.scatter [tilespmem:s11], [sflag:$0x6], $0x400, $0x38;
	[tilespmem:$0x11900] =	vst v63  }
0xfc: {  	s12 =	rddreg [dreg:$0x1a];
	s13 =	simm.s32 $0x10500  }
0xfd: {  	[hbm4b:s12+s1] =	stream.linear.scatter [tilespmem:s13], [sflag:$0x6], $0x400, $0x38;
	[tilespmem:$0x11900] =	vst v63  }
0xfe: {  	s10 =	rddreg [dreg:$0x1b];
	s11 =	simm.s32 $0xC900  }
0xff: {  	[hbm4b:s10+s1] =	stream.linear.scatter [tilespmem:s11], [sflag:$0x6], $0x400, $0x38;
	[tilespmem:$0x11900] =	vst v63  }
0x100: {  	s12 =	rddreg [dreg:$0x1c]  }
0x101: {  	[hbm4b:s12+s1] =	stream.linear.scatter [tilespmem:s14], [sflag:$0x6], $0x400, $0x38;
	[tilespmem:$0x11900] =	vst v63  }
0x102: {  	s13 =	rddreg [dreg:$0x1d]  }
0x103: {  	[hbm4b:s13+s1] =	stream.linear.scatter [tilespmem:s15], [sflag:$0x6], $0x400, $0x38;
	[tilespmem:$0x11900] =	vst v63  }
0x104: {  	s10 =	rddreg [dreg:$0x1f]  }
0x105: {  	[hbm4b:s9+s1] =	stream.linear.scatter [tilespmem:s16], [sflag:$0x6], $0x400, $0x38;
	[tilespmem:$0x11900] =	vst v63  }
0x106: {  	s11 =	sld [smem:$0x7D9]  }
0x107: {  	[hbm4b:s10+s1] =	stream.linear.scatter [tilespmem:s17], [sflag:$0x6], $0x400, $0x38;
	[tilespmem:$0x11900] =	vst v63  }
0x108: {  	s12 =	sld [smem:$0x7DA]  }
0x109: {  	[hbm4b:s11+s1] =	stream.linear.scatter [tilespmem:s18], [sflag:$0x6], $0x400, $0x38;
	[tilespmem:$0x11900] =	vst v63  }
0x10a: {  	s13 =	sld [smem:$0x7DB]  }
0x10b: {  	[hbm4b:s12+s1] =	stream.linear.scatter [tilespmem:s19], [sflag:$0x6], $0x400, $0x38;
	[tilespmem:$0x11900] =	vst v63  }
0x10c: {  	s31 =	simm.s32 $0x1  }
0x10d: {  	[hbm4b:s13+s1] =	stream.linear.scatter [tilespmem:s20], [sflag:$0x6], $0x400, $0x38;
	[tilespmem:$0x11900] =	vst v63  }
.LBB2_6:
0x10e: {  	_ =	swait.ge [sflag:s29], $0x2000  }
0x10f: {  	[sflag:s29] =	ssyncset.done $0x0  }
0x110: {  	[sflag:s29] =	ssyncadd.s32 $0xFFFFE000  }
0x111: {  	s0 =	sshllo.u32 s31, $0x1;
	_ =	swait.ge [sflag:s30], $0x2000  }
0x112: {  	s9 =	sshll.u32 s0, $0x7;
	[sflag:s30] =	ssyncset.done $0x0  }
0x113: {  	s10 =	simm.s32 $0x3900;
	s9 =	sand.u32 $0x3FFFFF80, s9;
	[sflag:s30] =	ssyncadd.s32 $0xFFFFE000  }
0x114: {  	[tilespmem:s10], [sflag:$0x2] =	stream.indirect.gather [hbm4b:s3+s24], $0x40, s9, s24, $0xb8;
	[tilespmem:$0x11900] =	vst v63  }
0x115: {  	s12 =	simm.s32 $0x7900  }
0x116: {  	[tilespmem:s12], [sflag:$0x4] =	stream.indirect.gather [hbm4b:s4+s24], $0x40, s9, s24, $0xb8;
	[tilespmem:$0x11900] =	vst v63  }
0x117: {  	_ =	swait.ge [sflag:s21], $0x400  }
0x118: {  	[sflag:s21] =	ssyncset.done $0x0  }
0x119: {  	[sflag:s21] =	ssyncadd.s32 $0xFFFFFC00  }
0x11a: {  	_ =	swait.ge [sflag:s21], $0x400  }
0x11b: {  	[sflag:s21] =	ssyncset.done $0x0  }
0x11c: {  	[sflag:s21] =	ssyncadd.s32 $0xFFFFFC00  }
0x11d: {  	_ =	swait.ge [sflag:s21], $0x400  }
0x11e: {  	[sflag:s21] =	ssyncset.done $0x0  }
0x11f: {  	[sflag:s21] =	ssyncadd.s32 $0xFFFFFC00  }
0x120: {  	_ =	swait.ge [sflag:s21], $0x400  }
0x121: {  	[sflag:s21] =	ssyncset.done $0x0  }
0x122: {  	[sflag:s21] =	ssyncadd.s32 $0xFFFFFC00  }
0x123: {  	_ =	swait.ge [sflag:s21], $0x400  }
0x124: {  	[sflag:s21] =	ssyncset.done $0x0  }
0x125: {  	[sflag:s21] =	ssyncadd.s32 $0xFFFFFC00  }
0x126: {  	_ =	swait.ge [sflag:s21], $0x400  }
0x127: {  	[sflag:s21] =	ssyncset.done $0x0  }
0x128: {  	[sflag:s21] =	ssyncadd.s32 $0xFFFFFC00  }
0x129: {  	_ =	swait.ge [sflag:s21], $0x400  }
0x12a: {  	[sflag:s21] =	ssyncset.done $0x0  }
0x12b: {  	[sflag:s21] =	ssyncadd.s32 $0xFFFFFC00  }
0x12c: {  	_ =	swait.ge [sflag:s21], $0x400  }
0x12d: {  	[sflag:s21] =	ssyncset.done $0x0  }
0x12e: {  	[sflag:s21] =	ssyncadd.s32 $0xFFFFFC00  }
0x12f: {  	_ =	swait.ge [sflag:s21], $0x400  }
0x130: {  	[sflag:s21] =	ssyncset.done $0x0  }
0x131: {  	[sflag:s21] =	ssyncadd.s32 $0xFFFFFC00  }
0x132: {  	_ =	swait.ge [sflag:s21], $0x400  }
0x133: {  	[sflag:s21] =	ssyncset.done $0x0  }
0x134: {  	[sflag:s21] =	ssyncadd.s32 $0xFFFFFC00  }
0x135: {  	_ =	swait.ge [sflag:s21], $0x400  }
0x136: {  	[sflag:s21] =	ssyncset.done $0x0  }
0x137: {  	[sflag:s21] =	ssyncadd.s32 $0xFFFFFC00  }
0x138: {  	_ =	swait.ge [sflag:s21], $0x400  }
0x139: {  	[sflag:s21] =	ssyncset.done $0x0  }
0x13a: {  	[sflag:s21] =	ssyncadd.s32 $0xFFFFFC00  }
0x13b: {  	_ =	swait.ge [sflag:s21], $0x400  }
0x13c: {  	[sflag:s21] =	ssyncset.done $0x0  }
0x13d: {  	[sflag:s21] =	ssyncadd.s32 $0xFFFFFC00  }
0x13e: {  	_ =	swait.ge [sflag:s21], $0x400  }
0x13f: {  	[sflag:s21] =	ssyncset.done $0x0  }
0x140: {  	[sflag:s21] =	ssyncadd.s32 $0xFFFFFC00  }
0x141: {  	_ =	swait.ge [sflag:s21], $0x400  }
0x142: {  	[sflag:s21] =	ssyncset.done $0x0  }
0x143: {  	[sflag:s21] =	ssyncadd.s32 $0xFFFFFC00  }
0x144: {  	_ =	swait.ge [sflag:s21], $0x400  }
0x145: {  	[sflag:s21] =	ssyncset.done $0x0  }
0x146: {  	s13 =	simm.s32 $0x0;
	s11 =	simm.s32 $0x1920;
	[sflag:s21] =	ssyncadd.s32 $0xFFFFFC00  }
0x147: {  	v4 =	vor.u32 s13, v0;
	v5 =	vld [tilespmem:s11+$0xFFFFFFE0];
	_ =	sdelay $0x4  }
0x148: {  	s9 =	simm.s32 $0x5920;
	[tilespmem:v4+s2+$0x0] =	vst.idx.msk $0xffff, v5  }
0x149: {  	v5 =	vld [tilespmem:s9+$0xFFFFFFE0];
	_ =	sdelay $0x4  }
0x14a: {  	[tilespmem:v4+s7+$0x0] =	vst.idx.msk $0xffff, v5  }
0x14b: {  	v4 =	vor.u32 s13, v1;
	v5 =	vld [tilespmem:s11+$0xFFFFFFF0];
	_ =	sdelay $0x4  }
0x14c: {  	[tilespmem:v4+s2+$0x0] =	vst.idx.msk $0xffff, v5  }
0x14d: {  	v5 =	vld [tilespmem:s9+$0xFFFFFFF0];
	_ =	sdelay $0x4  }
0x14e: {  	[tilespmem:v4+s7+$0x0] =	vst.idx.msk $0xffff, v5  }
0x14f: {  	v4 =	vor.u32 s13, v2;
	v5 =	vld [tilespmem:s11+$0x0];
	_ =	sdelay $0x4  }
0x150: {  	[tilespmem:v4+s2+$0x0] =	vst.idx.msk $0xffff, v5  }
0x151: {  	v5 =	vld [tilespmem:s9+$0x0];
	_ =	sdelay $0x4  }
0x152: {  	[tilespmem:v4+s7+$0x0] =	vst.idx.msk $0xffff, v5  }
0x153: {  	v4 =	vor.u32 s13, v3;
	v5 =	vld [tilespmem:s11+$0x10];
	_ =	sdelay $0x4  }
0x154: {  	[tilespmem:v4+s2+$0x0] =	vst.idx.msk $0xffff, v5  }
0x155: {  	v5 =	vld [tilespmem:s9+$0x10];
	_ =	sdelay $0x4  }
0x156: {  	s10 =	simm.s32 $0x1960;
	s11 =	simm.s32 $0x1;
	[tilespmem:v4+s7+$0x0] =	vst.idx.msk $0xffff, v5  }
0x157: {  	s12 =	simm.s32 $0x2;
	v4 =	vor.u32 s11, v0;
	v5 =	vld [tilespmem:s10+$0xFFFFFFE0]  }
.LBB2_7:
0x158: {  	p0 =	seq.s32 s12, $0x7F;
	_ =	sdelay $0x3  }
0x159: {  	s9 =	sadd.s32 $0x40, s9;
	[tilespmem:v4+s2+$0x0] =	vst.idx.msk $0xffff, v5  }
0x15a: {  	v5 =	vld [tilespmem:s9+$0xFFFFFFE0];
	_ =	sdelay $0x4  }
0x15b: {  	[tilespmem:v4+s7+$0x0] =	vst.idx.msk $0xffff, v5  }
0x15c: {  	v4 =	vor.u32 s11, v1;
	v5 =	vld [tilespmem:s10+$0xFFFFFFF0];
	_ =	sdelay $0x4  }
0x15d: {  	[tilespmem:v4+s2+$0x0] =	vst.idx.msk $0xffff, v5  }
0x15e: {  	v5 =	vld [tilespmem:s9+$0xFFFFFFF0];
	_ =	sdelay $0x4  }
0x15f: {  	[tilespmem:v4+s7+$0x0] =	vst.idx.msk $0xffff, v5  }
0x160: {  	v4 =	vor.u32 s11, v2;
	v5 =	vld [tilespmem:s10+$0x0];
	_ =	sdelay $0x4  }
0x161: {  	[tilespmem:v4+s2+$0x0] =	vst.idx.msk $0xffff, v5  }
0x162: {  	v5 =	vld [tilespmem:s9+$0x0];
	_ =	sdelay $0x4  }
0x163: {  	[tilespmem:v4+s7+$0x0] =	vst.idx.msk $0xffff, v5  }
0x164: {  	v4 =	vor.u32 s11, v3;
	s11 =	smov.u32 s12;
	v5 =	vld [tilespmem:s10+$0x10];
	_ =	sdelay $0x4  }
0x165: {  	[tilespmem:v4+s2+$0x0] =	vst.idx.msk $0xffff, v5  }
0x166: {  	v5 =	vld [tilespmem:s9+$0x10];
	_ =	sdelay $0x1  }
.Ltmp2:
0x167: {  	(pc) =	sbr.rel @!p0 .LBB2_7-.Ltmp2, $3  }
0x168: {  	_ =	sdelay $0x1  }
0x169: {  	s10 =	sadd.s32 $0x40, s10;
	[tilespmem:v4+s7+$0x0] =	vst.idx.msk $0xffff, v5  }
0x16a: {  	s12 =	sadd.s32 $0x1, s12;
	v4 =	vor.u32 s11, v0;
	v5 =	vld [tilespmem:s10+$0xFFFFFFE0]  }
0x16b: {  	_ =	sdelay $0x3  }
0x16c: {  	s9 =	sadd.s32 $0x40, s9;
	[tilespmem:v4+s2+$0x0] =	vst.idx.msk $0xffff, v5  }
0x16d: {  	v5 =	vld [tilespmem:s9+$0xFFFFFFE0];
	_ =	sdelay $0x4  }
0x16e: {  	[tilespmem:v4+s7+$0x0] =	vst.idx.msk $0xffff, v5  }
0x16f: {  	v4 =	vor.u32 s11, v1;
	v5 =	vld [tilespmem:s10+$0xFFFFFFF0];
	_ =	sdelay $0x4  }
0x170: {  	[tilespmem:v4+s2+$0x0] =	vst.idx.msk $0xffff, v5  }
0x171: {  	v5 =	vld [tilespmem:s9+$0xFFFFFFF0];
	_ =	sdelay $0x4  }
0x172: {  	[tilespmem:v4+s7+$0x0] =	vst.idx.msk $0xffff, v5  }
0x173: {  	v4 =	vor.u32 s11, v2;
	v5 =	vld [tilespmem:s10+$0x0];
	_ =	sdelay $0x4  }
0x174: {  	[tilespmem:v4+s2+$0x0] =	vst.idx.msk $0xffff, v5  }
0x175: {  	v5 =	vld [tilespmem:s9+$0x0];
	_ =	sdelay $0x4  }
0x176: {  	[tilespmem:v4+s7+$0x0] =	vst.idx.msk $0xffff, v5  }
0x177: {  	v4 =	vor.u32 s11, v3;
	v5 =	vld [tilespmem:s10+$0x10];
	_ =	sdelay $0x4  }
0x178: {  	[tilespmem:v4+s2+$0x0] =	vst.idx.msk $0xffff, v5  }
0x179: {  	v5 =	vld [tilespmem:s9+$0x10];
	_ =	sdelay $0x2  }
0x17a: {  	s12 =	sshll.u32 s31, $0x10  }
0x17b: {  	s10 =	sor.u32 s8, s12  }
0x17c: {  	s13 =	sadd.s32 s5, s10;
	s9 =	simm.s32 $0x0;
	[tilespmem:v4+s7+$0x0] =	vst.idx.msk $0xffff, v5  }
0x17d: {  	[hbm4b:s13+s9] =	stream.linear.scatter [tilespmem:s2], [sflag:$0x5], $0x400, $0x38;
	[tilespmem:$0x11900] =	vst v63  }
0x17e: {  	s12 =	sadd.s32 s6, s10;
	s11 =	sor.u32 $0x1000, s10  }
0x17f: {  	[hbm4b:s12+s9] =	stream.linear.scatter [tilespmem:s7], [sflag:$0x5], $0x400, $0x38;
	[tilespmem:$0x11900] =	vst v63  }
0x180: {  	s13 =	simm.s32 $0x9D00;
	s12 =	sadd.s32 s5, s11  }
0x181: {  	[hbm4b:s12+s9] =	stream.linear.scatter [tilespmem:s13], [sflag:$0x5], $0x400, $0x38;
	[tilespmem:$0x11900] =	vst v63  }
0x182: {  	s11 =	sadd.s32 s6, s11;
	s13 =	simm.s32 $0xDD00  }
0x183: {  	[hbm4b:s11+s9] =	stream.linear.scatter [tilespmem:s13], [sflag:$0x5], $0x400, $0x38;
	[tilespmem:$0x11900] =	vst v63  }
0x184: {  	s11 =	sor.u32 $0x2000, s10  }
0x185: {  	s13 =	simm.s32 $0xA100;
	s12 =	sadd.s32 s5, s11  }
0x186: {  	[hbm4b:s12+s9] =	stream.linear.scatter [tilespmem:s13], [sflag:$0x5], $0x400, $0x38;
	[tilespmem:$0x11900] =	vst v63  }
0x187: {  	s11 =	sadd.s32 s6, s11;
	s13 =	simm.s32 $0xE100  }
0x188: {  	[hbm4b:s11+s9] =	stream.linear.scatter [tilespmem:s13], [sflag:$0x5], $0x400, $0x38;
	[tilespmem:$0x11900] =	vst v63  }
0x189: {  	s11 =	sor.u32 $0x3000, s10  }
0x18a: {  	s13 =	simm.s32 $0xA500;
	s12 =	sadd.s32 s5, s11  }
0x18b: {  	[hbm4b:s12+s9] =	stream.linear.scatter [tilespmem:s13], [sflag:$0x5], $0x400, $0x38;
	[tilespmem:$0x11900] =	vst v63  }
0x18c: {  	s11 =	sadd.s32 s6, s11;
	s13 =	simm.s32 $0xE500  }
0x18d: {  	[hbm4b:s11+s9] =	stream.linear.scatter [tilespmem:s13], [sflag:$0x5], $0x400, $0x38;
	[tilespmem:$0x11900] =	vst v63  }
0x18e: {  	s11 =	sor.u32 $0x4000, s10  }
0x18f: {  	s13 =	simm.s32 $0xA900;
	s12 =	sadd.s32 s5, s11  }
0x190: {  	[hbm4b:s12+s9] =	stream.linear.scatter [tilespmem:s13], [sflag:$0x5], $0x400, $0x38;
	[tilespmem:$0x11900] =	vst v63  }
0x191: {  	s11 =	sadd.s32 s6, s11;
	s13 =	simm.s32 $0xE900  }
0x192: {  	[hbm4b:s11+s9] =	stream.linear.scatter [tilespmem:s13], [sflag:$0x5], $0x400, $0x38;
	[tilespmem:$0x11900] =	vst v63  }
0x193: {  	s11 =	sor.u32 $0x5000, s10  }
0x194: {  	s13 =	simm.s32 $0xAD00;
	s12 =	sadd.s32 s5, s11  }
0x195: {  	[hbm4b:s12+s9] =	stream.linear.scatter [tilespmem:s13], [sflag:$0x5], $0x400, $0x38;
	[tilespmem:$0x11900] =	vst v63  }
0x196: {  	s11 =	sadd.s32 s6, s11;
	s13 =	simm.s32 $0xED00  }
0x197: {  	[hbm4b:s11+s9] =	stream.linear.scatter [tilespmem:s13], [sflag:$0x5], $0x400, $0x38;
	[tilespmem:$0x11900] =	vst v63  }
0x198: {  	s11 =	sor.u32 $0x6000, s10  }
0x199: {  	s13 =	simm.s32 $0xB100;
	s12 =	sadd.s32 s5, s11  }
0x19a: {  	[hbm4b:s12+s9] =	stream.linear.scatter [tilespmem:s13], [sflag:$0x5], $0x400, $0x38;
	[tilespmem:$0x11900] =	vst v63  }
0x19b: {  	s10 =	sor.u32 $0x7000, s10;
	s11 =	sadd.s32 s6, s11;
	s13 =	simm.s32 $0xF100  }
0x19c: {  	[hbm4b:s11+s9] =	stream.linear.scatter [tilespmem:s13], [sflag:$0x5], $0x400, $0x38;
	[tilespmem:$0x11900] =	vst v63  }
0x19d: {  	s12 =	sadd.s32 s5, s10;
	s13 =	simm.s32 $0xB500  }
0x19e: {  	[hbm4b:s12+s9] =	stream.linear.scatter [tilespmem:s13], [sflag:$0x5], $0x400, $0x38;
	[tilespmem:$0x11900] =	vst v63  }
0x19f: {  	s10 =	sadd.s32 s6, s10;
	s13 =	simm.s32 $0xF500  }
0x1a0: {  	[hbm4b:s10+s9] =	stream.linear.scatter [tilespmem:s13], [sflag:$0x5], $0x400, $0x38;
	[tilespmem:$0x11900] =	vst v63  }
0x1a1: {  	_ =	swait.ge [sflag:s23], $0x2000  }
0x1a2: {  	[sflag:s23] =	ssyncset.done $0x0  }
0x1a3: {  	[sflag:s23] =	ssyncadd.s32 $0xFFFFE000  }
0x1a4: {  	s12 =	sshll.u32 s31, $0x8;
	_ =	swait.ge [sflag:s25], $0x2000  }
0x1a5: {  	s10 =	sand.u32 $0x3FFFFF00, s12;
	[sflag:s25] =	ssyncset.done $0x0  }
0x1a6: {  	s13 =	simm.s32 $0x1900;
	s10 =	sadd.s32 $0x100, s10;
	[sflag:s25] =	ssyncadd.s32 $0xFFFFE000  }
0x1a7: {  	[tilespmem:s13], [sflag:$0x1] =	stream.indirect.gather [hbm4b:s3+s24], $0x40, s10, s24, $0xb8;
	[tilespmem:$0x11900] =	vst v63  }
0x1a8: {  	s12 =	simm.s32 $0x5900  }
0x1a9: {  	[tilespmem:s12], [sflag:$0x3] =	stream.indirect.gather [hbm4b:s4+s24], $0x40, s10, s24, $0xb8;
	[tilespmem:$0x11900] =	vst v63  }
0x1aa: {  	_ =	swait.ge [sflag:s22], $0x400  }
0x1ab: {  	[sflag:s22] =	ssyncset.done $0x0  }
0x1ac: {  	[sflag:s22] =	ssyncadd.s32 $0xFFFFFC00  }
0x1ad: {  	_ =	swait.ge [sflag:s22], $0x400  }
0x1ae: {  	[sflag:s22] =	ssyncset.done $0x0  }
0x1af: {  	[sflag:s22] =	ssyncadd.s32 $0xFFFFFC00  }
0x1b0: {  	_ =	swait.ge [sflag:s22], $0x400  }
0x1b1: {  	[sflag:s22] =	ssyncset.done $0x0  }
0x1b2: {  	[sflag:s22] =	ssyncadd.s32 $0xFFFFFC00  }
0x1b3: {  	_ =	swait.ge [sflag:s22], $0x400  }
0x1b4: {  	[sflag:s22] =	ssyncset.done $0x0  }
0x1b5: {  	[sflag:s22] =	ssyncadd.s32 $0xFFFFFC00  }
0x1b6: {  	_ =	swait.ge [sflag:s22], $0x400  }
0x1b7: {  	[sflag:s22] =	ssyncset.done $0x0  }
0x1b8: {  	[sflag:s22] =	ssyncadd.s32 $0xFFFFFC00  }
0x1b9: {  	_ =	swait.ge [sflag:s22], $0x400  }
0x1ba: {  	[sflag:s22] =	ssyncset.done $0x0  }
0x1bb: {  	[sflag:s22] =	ssyncadd.s32 $0xFFFFFC00  }
0x1bc: {  	_ =	swait.ge [sflag:s22], $0x400  }
0x1bd: {  	[sflag:s22] =	ssyncset.done $0x0  }
0x1be: {  	[sflag:s22] =	ssyncadd.s32 $0xFFFFFC00  }
0x1bf: {  	_ =	swait.ge [sflag:s22], $0x400  }
0x1c0: {  	[sflag:s22] =	ssyncset.done $0x0  }
0x1c1: {  	[sflag:s22] =	ssyncadd.s32 $0xFFFFFC00  }
0x1c2: {  	_ =	swait.ge [sflag:s22], $0x400  }
0x1c3: {  	[sflag:s22] =	ssyncset.done $0x0  }
0x1c4: {  	[sflag:s22] =	ssyncadd.s32 $0xFFFFFC00  }
0x1c5: {  	_ =	swait.ge [sflag:s22], $0x400  }
0x1c6: {  	[sflag:s22] =	ssyncset.done $0x0  }
0x1c7: {  	[sflag:s22] =	ssyncadd.s32 $0xFFFFFC00  }
0x1c8: {  	_ =	swait.ge [sflag:s22], $0x400  }
0x1c9: {  	[sflag:s22] =	ssyncset.done $0x0  }
0x1ca: {  	[sflag:s22] =	ssyncadd.s32 $0xFFFFFC00  }
0x1cb: {  	_ =	swait.ge [sflag:s22], $0x400  }
0x1cc: {  	[sflag:s22] =	ssyncset.done $0x0  }
0x1cd: {  	[sflag:s22] =	ssyncadd.s32 $0xFFFFFC00  }
0x1ce: {  	_ =	swait.ge [sflag:s22], $0x400  }
0x1cf: {  	[sflag:s22] =	ssyncset.done $0x0  }
0x1d0: {  	[sflag:s22] =	ssyncadd.s32 $0xFFFFFC00  }
0x1d1: {  	_ =	swait.ge [sflag:s22], $0x400  }
0x1d2: {  	[sflag:s22] =	ssyncset.done $0x0  }
0x1d3: {  	[sflag:s22] =	ssyncadd.s32 $0xFFFFFC00  }
0x1d4: {  	_ =	swait.ge [sflag:s22], $0x400  }
0x1d5: {  	[sflag:s22] =	ssyncset.done $0x0  }
0x1d6: {  	[sflag:s22] =	ssyncadd.s32 $0xFFFFFC00  }
0x1d7: {  	_ =	swait.ge [sflag:s22], $0x400  }
0x1d8: {  	[sflag:s22] =	ssyncset.done $0x0  }
0x1d9: {  	s13 =	simm.s32 $0x3920;
	[sflag:s22] =	ssyncadd.s32 $0xFFFFFC00  }
0x1da: {  	v4 =	vor.u32 s9, v0;
	v5 =	vld [tilespmem:s13+$0xFFFFFFE0];
	_ =	sdelay $0x4  }
0x1db: {  	s10 =	simm.s32 $0x7920;
	[tilespmem:v4+s26+$0x0] =	vst.idx.msk $0xffff, v5  }
0x1dc: {  	v5 =	vld [tilespmem:s10+$0xFFFFFFE0];
	_ =	sdelay $0x4  }
0x1dd: {  	[tilespmem:v4+s28+$0x0] =	vst.idx.msk $0xffff, v5  }
0x1de: {  	v4 =	vor.u32 s9, v1;
	v5 =	vld [tilespmem:s13+$0xFFFFFFF0];
	_ =	sdelay $0x4  }
0x1df: {  	[tilespmem:v4+s26+$0x0] =	vst.idx.msk $0xffff, v5  }
0x1e0: {  	v5 =	vld [tilespmem:s10+$0xFFFFFFF0];
	_ =	sdelay $0x4  }
0x1e1: {  	[tilespmem:v4+s28+$0x0] =	vst.idx.msk $0xffff, v5  }
0x1e2: {  	v4 =	vor.u32 s9, v2;
	v5 =	vld [tilespmem:s13+$0x0];
	_ =	sdelay $0x4  }
0x1e3: {  	[tilespmem:v4+s26+$0x0] =	vst.idx.msk $0xffff, v5  }
0x1e4: {  	v5 =	vld [tilespmem:s10+$0x0];
	_ =	sdelay $0x4  }
0x1e5: {  	[tilespmem:v4+s28+$0x0] =	vst.idx.msk $0xffff, v5  }
0x1e6: {  	v4 =	vor.u32 s9, v3;
	v5 =	vld [tilespmem:s13+$0x10];
	_ =	sdelay $0x4  }
0x1e7: {  	[tilespmem:v4+s26+$0x0] =	vst.idx.msk $0xffff, v5  }
0x1e8: {  	v5 =	vld [tilespmem:s10+$0x10];
	_ =	sdelay $0x4  }
0x1e9: {  	s11 =	simm.s32 $0x1;
	s9 =	simm.s32 $0x3960;
	[tilespmem:v4+s28+$0x0] =	vst.idx.msk $0xffff, v5  }
0x1ea: {  	s12 =	simm.s32 $0x2;
	v4 =	vor.u32 s11, v0;
	v5 =	vld [tilespmem:s9+$0xFFFFFFE0]  }
.LBB2_9:
0x1eb: {  	p0 =	seq.s32 s12, $0x7F;
	_ =	sdelay $0x3  }
0x1ec: {  	s10 =	sadd.s32 $0x40, s10;
	[tilespmem:v4+s26+$0x0] =	vst.idx.msk $0xffff, v5  }
0x1ed: {  	v5 =	vld [tilespmem:s10+$0xFFFFFFE0];
	_ =	sdelay $0x4  }
0x1ee: {  	[tilespmem:v4+s28+$0x0] =	vst.idx.msk $0xffff, v5  }
0x1ef: {  	v4 =	vor.u32 s11, v1;
	v5 =	vld [tilespmem:s9+$0xFFFFFFF0];
	_ =	sdelay $0x4  }
0x1f0: {  	[tilespmem:v4+s26+$0x0] =	vst.idx.msk $0xffff, v5  }
0x1f1: {  	v5 =	vld [tilespmem:s10+$0xFFFFFFF0];
	_ =	sdelay $0x4  }
0x1f2: {  	[tilespmem:v4+s28+$0x0] =	vst.idx.msk $0xffff, v5  }
0x1f3: {  	v4 =	vor.u32 s11, v2;
	v5 =	vld [tilespmem:s9+$0x0];
	_ =	sdelay $0x4  }
0x1f4: {  	[tilespmem:v4+s26+$0x0] =	vst.idx.msk $0xffff, v5  }
0x1f5: {  	v5 =	vld [tilespmem:s10+$0x0];
	_ =	sdelay $0x4  }
0x1f6: {  	[tilespmem:v4+s28+$0x0] =	vst.idx.msk $0xffff, v5  }
0x1f7: {  	v4 =	vor.u32 s11, v3;
	s11 =	smov.u32 s12;
	v5 =	vld [tilespmem:s9+$0x10];
	_ =	sdelay $0x4  }
0x1f8: {  	[tilespmem:v4+s26+$0x0] =	vst.idx.msk $0xffff, v5  }
0x1f9: {  	v5 =	vld [tilespmem:s10+$0x10];
	_ =	sdelay $0x1  }
.Ltmp3:
0x1fa: {  	(pc) =	sbr.rel @!p0 .LBB2_9-.Ltmp3, $3  }
0x1fb: {  	_ =	sdelay $0x1  }
0x1fc: {  	s9 =	sadd.s32 $0x40, s9;
	[tilespmem:v4+s28+$0x0] =	vst.idx.msk $0xffff, v5  }
0x1fd: {  	s12 =	sadd.s32 $0x1, s12;
	v4 =	vor.u32 s11, v0;
	v5 =	vld [tilespmem:s9+$0xFFFFFFE0]  }
0x1fe: {  	_ =	sdelay $0x3  }
0x1ff: {  	s10 =	sadd.s32 $0x40, s10;
	[tilespmem:v4+s26+$0x0] =	vst.idx.msk $0xffff, v5  }
0x200: {  	v5 =	vld [tilespmem:s10+$0xFFFFFFE0];
	_ =	sdelay $0x4  }
0x201: {  	[tilespmem:v4+s28+$0x0] =	vst.idx.msk $0xffff, v5  }
0x202: {  	v4 =	vor.u32 s11, v1;
	v5 =	vld [tilespmem:s9+$0xFFFFFFF0];
	_ =	sdelay $0x4  }
0x203: {  	[tilespmem:v4+s26+$0x0] =	vst.idx.msk $0xffff, v5  }
0x204: {  	v5 =	vld [tilespmem:s10+$0xFFFFFFF0];
	_ =	sdelay $0x4  }
0x205: {  	[tilespmem:v4+s28+$0x0] =	vst.idx.msk $0xffff, v5  }
0x206: {  	v4 =	vor.u32 s11, v2;
	v5 =	vld [tilespmem:s9+$0x0];
	_ =	sdelay $0x4  }
0x207: {  	[tilespmem:v4+s26+$0x0] =	vst.idx.msk $0xffff, v5  }
0x208: {  	v5 =	vld [tilespmem:s10+$0x0];
	_ =	sdelay $0x4  }
0x209: {  	[tilespmem:v4+s28+$0x0] =	vst.idx.msk $0xffff, v5  }
0x20a: {  	v4 =	vor.u32 s11, v3;
	v5 =	vld [tilespmem:s9+$0x10];
	_ =	sdelay $0x4  }
0x20b: {  	[tilespmem:v4+s26+$0x0] =	vst.idx.msk $0xffff, v5  }
0x20c: {  	v5 =	vld [tilespmem:s10+$0x10];
	_ =	sdelay $0x2  }
0x20d: {  	s0 =	sshll.u32 s0, $0xF  }
0x20e: {  	s0 =	sor.u32 s8, s0  }
0x20f: {  	s10 =	sadd.s32 s5, s0;
	[tilespmem:v4+s28+$0x0] =	vst.idx.msk $0xffff, v5  }
0x210: {  	[hbm4b:s10+s1] =	stream.linear.scatter [tilespmem:s26], [sflag:$0x6], $0x400, $0x38;
	[tilespmem:$0x11900] =	vst v63  }
0x211: {  	s11 =	sadd.s32 s6, s0;
	s9 =	sor.u32 $0x1000, s0  }
0x212: {  	[hbm4b:s11+s1] =	stream.linear.scatter [tilespmem:s28], [sflag:$0x6], $0x400, $0x38;
	[tilespmem:$0x11900] =	vst v63  }
0x213: {  	s13 =	simm.s32 $0xBD00;
	s12 =	sadd.s32 s5, s9  }
0x214: {  	[hbm4b:s12+s1] =	stream.linear.scatter [tilespmem:s13], [sflag:$0x6], $0x400, $0x38;
	[tilespmem:$0x11900] =	vst v63  }
0x215: {  	s9 =	sadd.s32 s6, s9;
	s11 =	simm.s32 $0xFD00  }
0x216: {  	[hbm4b:s9+s1] =	stream.linear.scatter [tilespmem:s11], [sflag:$0x6], $0x400, $0x38;
	[tilespmem:$0x11900] =	vst v63  }
0x217: {  	s9 =	sor.u32 $0x2000, s0  }
0x218: {  	s13 =	simm.s32 $0xC100;
	s12 =	sadd.s32 s5, s9  }
0x219: {  	[hbm4b:s12+s1] =	stream.linear.scatter [tilespmem:s13], [sflag:$0x6], $0x400, $0x38;
	[tilespmem:$0x11900] =	vst v63  }
0x21a: {  	s11 =	simm.s32 $0x10100;
	s9 =	sadd.s32 s6, s9  }
0x21b: {  	[hbm4b:s9+s1] =	stream.linear.scatter [tilespmem:s11], [sflag:$0x6], $0x400, $0x38;
	[tilespmem:$0x11900] =	vst v63  }
0x21c: {  	s9 =	sor.u32 $0x3000, s0  }
0x21d: {  	s13 =	simm.s32 $0xC500;
	s12 =	sadd.s32 s5, s9  }
0x21e: {  	[hbm4b:s12+s1] =	stream.linear.scatter [tilespmem:s13], [sflag:$0x6], $0x400, $0x38;
	[tilespmem:$0x11900] =	vst v63  }
0x21f: {  	s11 =	simm.s32 $0x10500;
	s9 =	sadd.s32 s6, s9  }
0x220: {  	[hbm4b:s9+s1] =	stream.linear.scatter [tilespmem:s11], [sflag:$0x6], $0x400, $0x38;
	[tilespmem:$0x11900] =	vst v63  }
0x221: {  	s9 =	sor.u32 $0x4000, s0  }
0x222: {  	s13 =	simm.s32 $0xC900;
	s12 =	sadd.s32 s5, s9  }
0x223: {  	[hbm4b:s12+s1] =	stream.linear.scatter [tilespmem:s13], [sflag:$0x6], $0x400, $0x38;
	[tilespmem:$0x11900] =	vst v63  }
0x224: {  	s9 =	sadd.s32 s6, s9;
	s12 =	sor.u32 $0x5000, s0  }
0x225: {  	[hbm4b:s9+s1] =	stream.linear.scatter [tilespmem:s14], [sflag:$0x6], $0x400, $0x38;
	[tilespmem:$0x11900] =	vst v63  }
0x226: {  	s13 =	sadd.s32 s5, s12  }
0x227: {  	[hbm4b:s13+s1] =	stream.linear.scatter [tilespmem:s15], [sflag:$0x6], $0x400, $0x38;
	[tilespmem:$0x11900] =	vst v63  }
0x228: {  	s11 =	sor.u32 $0x6000, s0;
	s9 =	sadd.s32 s6, s12  }
0x229: {  	[hbm4b:s9+s1] =	stream.linear.scatter [tilespmem:s16], [sflag:$0x6], $0x400, $0x38;
	[tilespmem:$0x11900] =	vst v63  }
0x22a: {  	s31 =	sadd.s32 $0x1, s31;
	s12 =	sadd.s32 s5, s11  }
0x22b: {  	[hbm4b:s12+s1] =	stream.linear.scatter [tilespmem:s17], [sflag:$0x6], $0x400, $0x38;
	[tilespmem:$0x11900] =	vst v63  }
0x22c: {  	p0 =	seq.s32 s31, $0x18;
	s9 =	sadd.s32 s6, s11  }
0x22d: {  	[hbm4b:s9+s1] =	stream.linear.scatter [tilespmem:s18], [sflag:$0x6], $0x400, $0x38;
	[tilespmem:$0x11900] =	vst v63  }
.Ltmp4:
0x22e: {  	s0 =	sor.u32 $0x7000, s0;
	(pc) =	sbr.rel @!p0 .LBB2_6-.Ltmp4, $4  }
0x22f: {  	s13 =	sadd.s32 s5, s0  }
0x230: {  	[hbm4b:s13+s1] =	stream.linear.scatter [tilespmem:s19], [sflag:$0x6], $0x400, $0x38;
	[tilespmem:$0x11900] =	vst v63  }
0x231: {  	s0 =	sadd.s32 s6, s0  }
0x232: {  	[hbm4b:s0+s1] =	stream.linear.scatter [tilespmem:s20], [sflag:$0x6], $0x400, $0x38;
	[tilespmem:$0x11900] =	vst v63  }
0x233: {  	_ =	swait.ge [sflag:s29], $0x2000  }
0x234: {  	[sflag:s29] =	ssyncset.done $0x0  }
0x235: {  	[sflag:s29] =	ssyncadd.s32 $0xFFFFE000  }
0x236: {  	_ =	swait.ge [sflag:s30], $0x2000  }
0x237: {  	[sflag:s30] =	ssyncset.done $0x0  }
0x238: {  	s0 =	simm.s32 $0x3900;
	s9 =	simm.s32 $0x1880;
	[sflag:s30] =	ssyncadd.s32 $0xFFFFE000  }
0x239: {  	[tilespmem:s0], [sflag:$0x2] =	stream.indirect.gather [hbm4b:s3+s24], $0x40, s9, s24, $0xb8;
	[tilespmem:$0x11900] =	vst v63  }
0x23a: {  	s13 =	simm.s32 $0x7900  }
0x23b: {  	[tilespmem:s13], [sflag:$0x4] =	stream.indirect.gather [hbm4b:s4+s24], $0x40, s9, s24, $0xb8;
	[tilespmem:$0x11900] =	vst v63  }
0x23c: {  	_ =	swait.ge [sflag:s21], $0x400  }
0x23d: {  	[sflag:s21] =	ssyncset.done $0x0  }
0x23e: {  	[sflag:s21] =	ssyncadd.s32 $0xFFFFFC00  }
0x23f: {  	_ =	swait.ge [sflag:s21], $0x400  }
0x240: {  	[sflag:s21] =	ssyncset.done $0x0  }
0x241: {  	[sflag:s21] =	ssyncadd.s32 $0xFFFFFC00  }
0x242: {  	_ =	swait.ge [sflag:s21], $0x400  }
0x243: {  	[sflag:s21] =	ssyncset.done $0x0  }
0x244: {  	[sflag:s21] =	ssyncadd.s32 $0xFFFFFC00  }
0x245: {  	_ =	swait.ge [sflag:s21], $0x400  }
0x246: {  	[sflag:s21] =	ssyncset.done $0x0  }
0x247: {  	[sflag:s21] =	ssyncadd.s32 $0xFFFFFC00  }
0x248: {  	_ =	swait.ge [sflag:s21], $0x400  }
0x249: {  	[sflag:s21] =	ssyncset.done $0x0  }
0x24a: {  	[sflag:s21] =	ssyncadd.s32 $0xFFFFFC00  }
0x24b: {  	_ =	swait.ge [sflag:s21], $0x400  }
0x24c: {  	[sflag:s21] =	ssyncset.done $0x0  }
0x24d: {  	[sflag:s21] =	ssyncadd.s32 $0xFFFFFC00  }
0x24e: {  	_ =	swait.ge [sflag:s21], $0x400  }
0x24f: {  	[sflag:s21] =	ssyncset.done $0x0  }
0x250: {  	[sflag:s21] =	ssyncadd.s32 $0xFFFFFC00  }
0x251: {  	_ =	swait.ge [sflag:s21], $0x400  }
0x252: {  	[sflag:s21] =	ssyncset.done $0x0  }
0x253: {  	[sflag:s21] =	ssyncadd.s32 $0xFFFFFC00  }
0x254: {  	_ =	swait.ge [sflag:s21], $0x400  }
0x255: {  	[sflag:s21] =	ssyncset.done $0x0  }
0x256: {  	[sflag:s21] =	ssyncadd.s32 $0xFFFFFC00  }
0x257: {  	_ =	swait.ge [sflag:s21], $0x400  }
0x258: {  	[sflag:s21] =	ssyncset.done $0x0  }
0x259: {  	[sflag:s21] =	ssyncadd.s32 $0xFFFFFC00  }
0x25a: {  	_ =	swait.ge [sflag:s21], $0x400  }
0x25b: {  	[sflag:s21] =	ssyncset.done $0x0  }
0x25c: {  	[sflag:s21] =	ssyncadd.s32 $0xFFFFFC00  }
0x25d: {  	_ =	swait.ge [sflag:s21], $0x400  }
0x25e: {  	[sflag:s21] =	ssyncset.done $0x0  }
0x25f: {  	[sflag:s21] =	ssyncadd.s32 $0xFFFFFC00  }
0x260: {  	_ =	swait.ge [sflag:s21], $0x400  }
0x261: {  	[sflag:s21] =	ssyncset.done $0x0  }
0x262: {  	[sflag:s21] =	ssyncadd.s32 $0xFFFFFC00  }
0x263: {  	_ =	swait.ge [sflag:s21], $0x400  }
0x264: {  	[sflag:s21] =	ssyncset.done $0x0  }
0x265: {  	[sflag:s21] =	ssyncadd.s32 $0xFFFFFC00  }
0x266: {  	_ =	swait.ge [sflag:s21], $0x400  }
0x267: {  	[sflag:s21] =	ssyncset.done $0x0  }
0x268: {  	[sflag:s21] =	ssyncadd.s32 $0xFFFFFC00  }
0x269: {  	_ =	swait.ge [sflag:s21], $0x400  }
0x26a: {  	[sflag:s21] =	ssyncset.done $0x0  }
0x26b: {  	s31 =	simm.s32 $0x0;
	s10 =	simm.s32 $0x1920;
	[sflag:s21] =	ssyncadd.s32 $0xFFFFFC00  }
0x26c: {  	v4 =	vor.u32 s31, v0;
	v5 =	vld [tilespmem:s10+$0xFFFFFFE0];
	_ =	sdelay $0x4  }
0x26d: {  	s0 =	simm.s32 $0x5920;
	[tilespmem:v4+s2+$0x0] =	vst.idx.msk $0xffff, v5  }
0x26e: {  	v5 =	vld [tilespmem:s0+$0xFFFFFFE0];
	_ =	sdelay $0x4  }
0x26f: {  	[tilespmem:v4+s7+$0x0] =	vst.idx.msk $0xffff, v5  }
0x270: {  	v4 =	vor.u32 s31, v1;
	v5 =	vld [tilespmem:s10+$0xFFFFFFF0];
	_ =	sdelay $0x4  }
0x271: {  	[tilespmem:v4+s2+$0x0] =	vst.idx.msk $0xffff, v5  }
0x272: {  	v5 =	vld [tilespmem:s0+$0xFFFFFFF0];
	_ =	sdelay $0x4  }
0x273: {  	[tilespmem:v4+s7+$0x0] =	vst.idx.msk $0xffff, v5  }
0x274: {  	v4 =	vor.u32 s31, v2;
	v5 =	vld [tilespmem:s10+$0x0];
	_ =	sdelay $0x4  }
0x275: {  	[tilespmem:v4+s2+$0x0] =	vst.idx.msk $0xffff, v5  }
0x276: {  	v5 =	vld [tilespmem:s0+$0x0];
	_ =	sdelay $0x4  }
0x277: {  	[tilespmem:v4+s7+$0x0] =	vst.idx.msk $0xffff, v5  }
0x278: {  	v4 =	vor.u32 s31, v3;
	v5 =	vld [tilespmem:s10+$0x10];
	_ =	sdelay $0x4  }
0x279: {  	[tilespmem:v4+s2+$0x0] =	vst.idx.msk $0xffff, v5  }
0x27a: {  	v5 =	vld [tilespmem:s0+$0x10];
	_ =	sdelay $0x4  }
0x27b: {  	s9 =	simm.s32 $0x1960;
	s10 =	simm.s32 $0x1;
	[tilespmem:v4+s7+$0x0] =	vst.idx.msk $0xffff, v5  }
0x27c: {  	s11 =	simm.s32 $0x2;
	v4 =	vor.u32 s10, v0;
	v5 =	vld [tilespmem:s9+$0xFFFFFFE0]  }
.LBB2_12:
0x27d: {  	p0 =	sne.s32 s11, $0x7F;
	_ =	sdelay $0x3  }
0x27e: {  	s0 =	sadd.s32 $0x40, s0;
	[tilespmem:v4+s2+$0x0] =	vst.idx.msk $0xffff, v5  }
0x27f: {  	v5 =	vld [tilespmem:s0+$0xFFFFFFE0];
	_ =	sdelay $0x4  }
0x280: {  	[tilespmem:v4+s7+$0x0] =	vst.idx.msk $0xffff, v5  }
0x281: {  	v4 =	vor.u32 s10, v1;
	v5 =	vld [tilespmem:s9+$0xFFFFFFF0];
	_ =	sdelay $0x4  }
0x282: {  	[tilespmem:v4+s2+$0x0] =	vst.idx.msk $0xffff, v5  }
0x283: {  	v5 =	vld [tilespmem:s0+$0xFFFFFFF0];
	_ =	sdelay $0x4  }
0x284: {  	[tilespmem:v4+s7+$0x0] =	vst.idx.msk $0xffff, v5  }
0x285: {  	v4 =	vor.u32 s10, v2;
	v5 =	vld [tilespmem:s9+$0x0];
	_ =	sdelay $0x4  }
0x286: {  	[tilespmem:v4+s2+$0x0] =	vst.idx.msk $0xffff, v5  }
0x287: {  	v5 =	vld [tilespmem:s0+$0x0];
	_ =	sdelay $0x4  }
0x288: {  	[tilespmem:v4+s7+$0x0] =	vst.idx.msk $0xffff, v5  }
0x289: {  	v4 =	vor.u32 s10, v3;
	s10 =	smov.u32 s11;
	v5 =	vld [tilespmem:s9+$0x10];
	_ =	sdelay $0x4  }
0x28a: {  	[tilespmem:v4+s2+$0x0] =	vst.idx.msk $0xffff, v5  }
0x28b: {  	v5 =	vld [tilespmem:s0+$0x10];
	_ =	sdelay $0x1  }
.Ltmp5:
0x28c: {  	(pc) =	sbr.rel @p0 .LBB2_12-.Ltmp5, $3  }
0x28d: {  	_ =	sdelay $0x1  }
0x28e: {  	s9 =	sadd.s32 $0x40, s9;
	[tilespmem:v4+s7+$0x0] =	vst.idx.msk $0xffff, v5  }
0x28f: {  	s11 =	sadd.s32 $0x1, s11;
	v4 =	vor.u32 s10, v0;
	v5 =	vld [tilespmem:s9+$0xFFFFFFE0]  }
0x290: {  	_ =	sdelay $0x3  }
0x291: {  	s0 =	sadd.s32 $0x40, s0;
	[tilespmem:v4+s2+$0x0] =	vst.idx.msk $0xffff, v5  }
0x292: {  	v5 =	vld [tilespmem:s0+$0xFFFFFFE0];
	_ =	sdelay $0x4  }
0x293: {  	[tilespmem:v4+s7+$0x0] =	vst.idx.msk $0xffff, v5  }
0x294: {  	v4 =	vor.u32 s10, v1;
	v5 =	vld [tilespmem:s9+$0xFFFFFFF0];
	_ =	sdelay $0x4  }
0x295: {  	[tilespmem:v4+s2+$0x0] =	vst.idx.msk $0xffff, v5  }
0x296: {  	v5 =	vld [tilespmem:s0+$0xFFFFFFF0];
	_ =	sdelay $0x4  }
0x297: {  	[tilespmem:v4+s7+$0x0] =	vst.idx.msk $0xffff, v5  }
0x298: {  	v4 =	vor.u32 s10, v2;
	v5 =	vld [tilespmem:s9+$0x0];
	_ =	sdelay $0x4  }
0x299: {  	[tilespmem:v4+s2+$0x0] =	vst.idx.msk $0xffff, v5  }
0x29a: {  	v5 =	vld [tilespmem:s0+$0x0];
	_ =	sdelay $0x4  }
0x29b: {  	[tilespmem:v4+s7+$0x0] =	vst.idx.msk $0xffff, v5  }
0x29c: {  	v4 =	vor.u32 s10, v3;
	v5 =	vld [tilespmem:s9+$0x10];
	_ =	sdelay $0x4  }
0x29d: {  	[tilespmem:v4+s2+$0x0] =	vst.idx.msk $0xffff, v5  }
0x29e: {  	v5 =	vld [tilespmem:s0+$0x10];
	_ =	sdelay $0x2  }
0x29f: {  	s31 =	sld [smem:$0x7DC];
	_ =	sdelay $0x1  }
0x2a0: {  	s10 =	sld [smem:$0x7DD];
	s9 =	simm.s32 $0x0;
	[tilespmem:v4+s7+$0x0] =	vst.idx.msk $0xffff, v5  }
0x2a1: {  	[hbm4b:s31+s9] =	stream.linear.scatter [tilespmem:s2], [sflag:$0x5], $0x400, $0x38;
	[tilespmem:$0x11900] =	vst v63  }
0x2a2: {  	s11 =	sld [smem:$0x7DE]  }
0x2a3: {  	[hbm4b:s10+s9] =	stream.linear.scatter [tilespmem:s7], [sflag:$0x5], $0x400, $0x38;
	[tilespmem:$0x11900] =	vst v63  }
0x2a4: {  	s12 =	simm.s32 $0x9D00;
	s13 =	sld [smem:$0x7DF]  }
0x2a5: {  	[hbm4b:s11+s9] =	stream.linear.scatter [tilespmem:s12], [sflag:$0x5], $0x400, $0x38;
	[tilespmem:$0x11900] =	vst v63  }
0x2a6: {  	s31 =	simm.s32 $0xDD00;
	s11 =	sld [smem:$0x7E0]  }
0x2a7: {  	[hbm4b:s13+s9] =	stream.linear.scatter [tilespmem:s31], [sflag:$0x5], $0x400, $0x38;
	[tilespmem:$0x11900] =	vst v63  }
0x2a8: {  	s12 =	simm.s32 $0xA100;
	s13 =	sld [smem:$0x7E1]  }
0x2a9: {  	[hbm4b:s11+s9] =	stream.linear.scatter [tilespmem:s12], [sflag:$0x5], $0x400, $0x38;
	[tilespmem:$0x11900] =	vst v63  }
0x2aa: {  	s31 =	simm.s32 $0xE100;
	s11 =	sld [smem:$0x7E2]  }
0x2ab: {  	[hbm4b:s13+s9] =	stream.linear.scatter [tilespmem:s31], [sflag:$0x5], $0x400, $0x38;
	[tilespmem:$0x11900] =	vst v63  }
0x2ac: {  	s12 =	simm.s32 $0xA500;
	s13 =	sld [smem:$0x7E3]  }
0x2ad: {  	[hbm4b:s11+s9] =	stream.linear.scatter [tilespmem:s12], [sflag:$0x5], $0x400, $0x38;
	[tilespmem:$0x11900] =	vst v63  }
0x2ae: {  	s31 =	simm.s32 $0xE500;
	s11 =	sld [smem:$0x7E4]  }
0x2af: {  	[hbm4b:s13+s9] =	stream.linear.scatter [tilespmem:s31], [sflag:$0x5], $0x400, $0x38;
	[tilespmem:$0x11900] =	vst v63  }
0x2b0: {  	s12 =	simm.s32 $0xA900;
	s13 =	sld [smem:$0x7E5]  }
0x2b1: {  	[hbm4b:s11+s9] =	stream.linear.scatter [tilespmem:s12], [sflag:$0x5], $0x400, $0x38;
	[tilespmem:$0x11900] =	vst v63  }
0x2b2: {  	s31 =	simm.s32 $0xE900;
	s11 =	sld [smem:$0x7E6]  }
0x2b3: {  	[hbm4b:s13+s9] =	stream.linear.scatter [tilespmem:s31], [sflag:$0x5], $0x400, $0x38;
	[tilespmem:$0x11900] =	vst v63  }
0x2b4: {  	s12 =	simm.s32 $0xAD00;
	s13 =	sld [smem:$0x7E7]  }
0x2b5: {  	[hbm4b:s11+s9] =	stream.linear.scatter [tilespmem:s12], [sflag:$0x5], $0x400, $0x38;
	[tilespmem:$0x11900] =	vst v63  }
0x2b6: {  	s31 =	simm.s32 $0xED00;
	s11 =	sld [smem:$0x7E8]  }
0x2b7: {  	[hbm4b:s13+s9] =	stream.linear.scatter [tilespmem:s31], [sflag:$0x5], $0x400, $0x38;
	[tilespmem:$0x11900] =	vst v63  }
0x2b8: {  	s12 =	simm.s32 $0xB100;
	s13 =	sld [smem:$0x7E9]  }
0x2b9: {  	[hbm4b:s11+s9] =	stream.linear.scatter [tilespmem:s12], [sflag:$0x5], $0x400, $0x38;
	[tilespmem:$0x11900] =	vst v63  }
0x2ba: {  	s10 =	sld [smem:$0x7EA];
	s31 =	simm.s32 $0xF100  }
0x2bb: {  	[hbm4b:s13+s9] =	stream.linear.scatter [tilespmem:s31], [sflag:$0x5], $0x400, $0x38;
	[tilespmem:$0x11900] =	vst v63  }
0x2bc: {  	s11 =	simm.s32 $0xB500;
	s12 =	sld [smem:$0x7EB]  }
0x2bd: {  	[hbm4b:s10+s9] =	stream.linear.scatter [tilespmem:s11], [sflag:$0x5], $0x400, $0x38;
	[tilespmem:$0x11900] =	vst v63  }
0x2be: {  	s13 =	simm.s32 $0xF500  }
0x2bf: {  	[hbm4b:s12+s9] =	stream.linear.scatter [tilespmem:s13], [sflag:$0x5], $0x400, $0x38;
	[tilespmem:$0x11900] =	vst v63  }
0x2c0: {  	_ =	swait.ge [sflag:s23], $0x2000  }
0x2c1: {  	[sflag:s23] =	ssyncset.done $0x0  }
0x2c2: {  	[sflag:s23] =	ssyncadd.s32 $0xFFFFE000  }
0x2c3: {  	_ =	swait.ge [sflag:s25], $0x2000  }
0x2c4: {  	[sflag:s25] =	ssyncset.done $0x0  }
0x2c5: {  	[sflag:s25] =	ssyncadd.s32 $0xFFFFE000  }
0x2c6: {  	_ =	swait.ge [sflag:s22], $0x400  }
0x2c7: {  	[sflag:s22] =	ssyncset.done $0x0  }
0x2c8: {  	[sflag:s22] =	ssyncadd.s32 $0xFFFFFC00  }
0x2c9: {  	_ =	swait.ge [sflag:s22], $0x400  }
0x2ca: {  	[sflag:s22] =	ssyncset.done $0x0  }
0x2cb: {  	[sflag:s22] =	ssyncadd.s32 $0xFFFFFC00  }
0x2cc: {  	_ =	swait.ge [sflag:s22], $0x400  }
0x2cd: {  	[sflag:s22] =	ssyncset.done $0x0  }
0x2ce: {  	[sflag:s22] =	ssyncadd.s32 $0xFFFFFC00  }
0x2cf: {  	_ =	swait.ge [sflag:s22], $0x400  }
0x2d0: {  	[sflag:s22] =	ssyncset.done $0x0  }
0x2d1: {  	[sflag:s22] =	ssyncadd.s32 $0xFFFFFC00  }
0x2d2: {  	_ =	swait.ge [sflag:s22], $0x400  }
0x2d3: {  	[sflag:s22] =	ssyncset.done $0x0  }
0x2d4: {  	[sflag:s22] =	ssyncadd.s32 $0xFFFFFC00  }
0x2d5: {  	_ =	swait.ge [sflag:s22], $0x400  }
0x2d6: {  	[sflag:s22] =	ssyncset.done $0x0  }
0x2d7: {  	[sflag:s22] =	ssyncadd.s32 $0xFFFFFC00  }
0x2d8: {  	_ =	swait.ge [sflag:s22], $0x400  }
0x2d9: {  	[sflag:s22] =	ssyncset.done $0x0  }
0x2da: {  	[sflag:s22] =	ssyncadd.s32 $0xFFFFFC00  }
0x2db: {  	_ =	swait.ge [sflag:s22], $0x400  }
0x2dc: {  	[sflag:s22] =	ssyncset.done $0x0  }
0x2dd: {  	[sflag:s22] =	ssyncadd.s32 $0xFFFFFC00  }
0x2de: {  	_ =	swait.ge [sflag:s22], $0x400  }
0x2df: {  	[sflag:s22] =	ssyncset.done $0x0  }
0x2e0: {  	[sflag:s22] =	ssyncadd.s32 $0xFFFFFC00  }
0x2e1: {  	_ =	swait.ge [sflag:s22], $0x400  }
0x2e2: {  	[sflag:s22] =	ssyncset.done $0x0  }
0x2e3: {  	[sflag:s22] =	ssyncadd.s32 $0xFFFFFC00  }
0x2e4: {  	_ =	swait.ge [sflag:s22], $0x400  }
0x2e5: {  	[sflag:s22] =	ssyncset.done $0x0  }
0x2e6: {  	[sflag:s22] =	ssyncadd.s32 $0xFFFFFC00  }
0x2e7: {  	_ =	swait.ge [sflag:s22], $0x400  }
0x2e8: {  	[sflag:s22] =	ssyncset.done $0x0  }
0x2e9: {  	[sflag:s22] =	ssyncadd.s32 $0xFFFFFC00  }
0x2ea: {  	_ =	swait.ge [sflag:s22], $0x400  }
0x2eb: {  	[sflag:s22] =	ssyncset.done $0x0  }
0x2ec: {  	[sflag:s22] =	ssyncadd.s32 $0xFFFFFC00  }
0x2ed: {  	_ =	swait.ge [sflag:s22], $0x400  }
0x2ee: {  	[sflag:s22] =	ssyncset.done $0x0  }
0x2ef: {  	[sflag:s22] =	ssyncadd.s32 $0xFFFFFC00  }
0x2f0: {  	_ =	swait.ge [sflag:s22], $0x400  }
0x2f1: {  	[sflag:s22] =	ssyncset.done $0x0  }
0x2f2: {  	[sflag:s22] =	ssyncadd.s32 $0xFFFFFC00  }
0x2f3: {  	_ =	swait.ge [sflag:s22], $0x400  }
0x2f4: {  	[sflag:s22] =	ssyncset.done $0x0  }
0x2f5: {  	s31 =	simm.s32 $0x3920;
	[sflag:s22] =	ssyncadd.s32 $0xFFFFFC00  }
0x2f6: {  	v4 =	vor.u32 s9, v0;
	v5 =	vld [tilespmem:s31+$0xFFFFFFE0];
	_ =	sdelay $0x4  }
0x2f7: {  	s0 =	simm.s32 $0x7920;
	[tilespmem:v4+s26+$0x0] =	vst.idx.msk $0xffff, v5  }
0x2f8: {  	v5 =	vld [tilespmem:s0+$0xFFFFFFE0];
	_ =	sdelay $0x4  }
0x2f9: {  	[tilespmem:v4+s28+$0x0] =	vst.idx.msk $0xffff, v5  }
0x2fa: {  	v4 =	vor.u32 s9, v1;
	v5 =	vld [tilespmem:s31+$0xFFFFFFF0];
	_ =	sdelay $0x4  }
0x2fb: {  	[tilespmem:v4+s26+$0x0] =	vst.idx.msk $0xffff, v5  }
0x2fc: {  	v5 =	vld [tilespmem:s0+$0xFFFFFFF0];
	_ =	sdelay $0x4  }
0x2fd: {  	[tilespmem:v4+s28+$0x0] =	vst.idx.msk $0xffff, v5  }
0x2fe: {  	v4 =	vor.u32 s9, v2;
	v5 =	vld [tilespmem:s31+$0x0];
	_ =	sdelay $0x4  }
0x2ff: {  	[tilespmem:v4+s26+$0x0] =	vst.idx.msk $0xffff, v5  }
0x300: {  	v5 =	vld [tilespmem:s0+$0x0];
	_ =	sdelay $0x4  }
0x301: {  	[tilespmem:v4+s28+$0x0] =	vst.idx.msk $0xffff, v5  }
0x302: {  	v4 =	vor.u32 s9, v3;
	v5 =	vld [tilespmem:s31+$0x10];
	_ =	sdelay $0x4  }
0x303: {  	[tilespmem:v4+s26+$0x0] =	vst.idx.msk $0xffff, v5  }
0x304: {  	v5 =	vld [tilespmem:s0+$0x10];
	_ =	sdelay $0x4  }
0x305: {  	s10 =	simm.s32 $0x1;
	s9 =	simm.s32 $0x3960;
	[tilespmem:v4+s28+$0x0] =	vst.idx.msk $0xffff, v5  }
0x306: {  	s11 =	simm.s32 $0x2;
	v4 =	vor.u32 s10, v0;
	v5 =	vld [tilespmem:s9+$0xFFFFFFE0]  }
.LBB2_14:
0x307: {  	p0 =	sne.s32 s11, $0x7F;
	_ =	sdelay $0x3  }
0x308: {  	s0 =	sadd.s32 $0x40, s0;
	[tilespmem:v4+s26+$0x0] =	vst.idx.msk $0xffff, v5  }
0x309: {  	v5 =	vld [tilespmem:s0+$0xFFFFFFE0];
	_ =	sdelay $0x4  }
0x30a: {  	[tilespmem:v4+s28+$0x0] =	vst.idx.msk $0xffff, v5  }
0x30b: {  	v4 =	vor.u32 s10, v1;
	v5 =	vld [tilespmem:s9+$0xFFFFFFF0];
	_ =	sdelay $0x4  }
0x30c: {  	[tilespmem:v4+s26+$0x0] =	vst.idx.msk $0xffff, v5  }
0x30d: {  	v5 =	vld [tilespmem:s0+$0xFFFFFFF0];
	_ =	sdelay $0x4  }
0x30e: {  	[tilespmem:v4+s28+$0x0] =	vst.idx.msk $0xffff, v5  }
0x30f: {  	v4 =	vor.u32 s10, v2;
	v5 =	vld [tilespmem:s9+$0x0];
	_ =	sdelay $0x4  }
0x310: {  	[tilespmem:v4+s26+$0x0] =	vst.idx.msk $0xffff, v5  }
0x311: {  	v5 =	vld [tilespmem:s0+$0x0];
	_ =	sdelay $0x4  }
0x312: {  	[tilespmem:v4+s28+$0x0] =	vst.idx.msk $0xffff, v5  }
0x313: {  	v4 =	vor.u32 s10, v3;
	s10 =	smov.u32 s11;
	v5 =	vld [tilespmem:s9+$0x10];
	_ =	sdelay $0x4  }
0x314: {  	[tilespmem:v4+s26+$0x0] =	vst.idx.msk $0xffff, v5  }
0x315: {  	v5 =	vld [tilespmem:s0+$0x10];
	_ =	sdelay $0x1  }
.Ltmp6:
0x316: {  	(pc) =	sbr.rel @p0 .LBB2_14-.Ltmp6, $3  }
0x317: {  	_ =	sdelay $0x1  }
0x318: {  	s9 =	sadd.s32 $0x40, s9;
	[tilespmem:v4+s28+$0x0] =	vst.idx.msk $0xffff, v5  }
0x319: {  	s11 =	sadd.s32 $0x1, s11;
	v4 =	vor.u32 s10, v0;
	v5 =	vld [tilespmem:s9+$0xFFFFFFE0]  }
0x31a: {  	_ =	sdelay $0x3  }
0x31b: {  	s0 =	sadd.s32 $0x40, s0;
	[tilespmem:v4+s26+$0x0] =	vst.idx.msk $0xffff, v5  }
0x31c: {  	v5 =	vld [tilespmem:s0+$0xFFFFFFE0];
	_ =	sdelay $0x4  }
0x31d: {  	[tilespmem:v4+s28+$0x0] =	vst.idx.msk $0xffff, v5  }
0x31e: {  	v4 =	vor.u32 s10, v1;
	v5 =	vld [tilespmem:s9+$0xFFFFFFF0];
	_ =	sdelay $0x4  }
0x31f: {  	[tilespmem:v4+s26+$0x0] =	vst.idx.msk $0xffff, v5  }
0x320: {  	v5 =	vld [tilespmem:s0+$0xFFFFFFF0];
	_ =	sdelay $0x4  }
0x321: {  	[tilespmem:v4+s28+$0x0] =	vst.idx.msk $0xffff, v5  }
0x322: {  	v4 =	vor.u32 s10, v2;
	v5 =	vld [tilespmem:s9+$0x0];
	_ =	sdelay $0x4  }
0x323: {  	[tilespmem:v4+s26+$0x0] =	vst.idx.msk $0xffff, v5  }
0x324: {  	v5 =	vld [tilespmem:s0+$0x0];
	_ =	sdelay $0x4  }
0x325: {  	[tilespmem:v4+s28+$0x0] =	vst.idx.msk $0xffff, v5  }
0x326: {  	v4 =	vor.u32 s10, v3;
	v5 =	vld [tilespmem:s9+$0x10];
	_ =	sdelay $0x4  }
0x327: {  	[tilespmem:v4+s26+$0x0] =	vst.idx.msk $0xffff, v5  }
0x328: {  	v5 =	vld [tilespmem:s0+$0x10];
	_ =	sdelay $0x2  }
0x329: {  	s13 =	sld [smem:$0x7EC];
	_ =	sdelay $0x1  }
0x32a: {  	s31 =	sld [smem:$0x7ED];
	[tilespmem:v4+s28+$0x0] =	vst.idx.msk $0xffff, v5  }
0x32b: {  	[hbm4b:s13+s1] =	stream.linear.scatter [tilespmem:s26], [sflag:$0x6], $0x400, $0x38;
	[tilespmem:$0x11900] =	vst v63  }
0x32c: {  	s9 =	sld [smem:$0x7EE]  }
0x32d: {  	[hbm4b:s31+s1] =	stream.linear.scatter [tilespmem:s28], [sflag:$0x6], $0x400, $0x38;
	[tilespmem:$0x11900] =	vst v63  }
0x32e: {  	s11 =	sld [smem:$0x7EF];
	s10 =	simm.s32 $0xBD00  }
0x32f: {  	[hbm4b:s9+s1] =	stream.linear.scatter [tilespmem:s10], [sflag:$0x6], $0x400, $0x38;
	[tilespmem:$0x11900] =	vst v63  }
0x330: {  	s12 =	simm.s32 $0xFD00;
	s13 =	sld [smem:$0x7F0]  }
0x331: {  	[hbm4b:s11+s1] =	stream.linear.scatter [tilespmem:s12], [sflag:$0x6], $0x400, $0x38;
	[tilespmem:$0x11900] =	vst v63  }
0x332: {  	s31 =	simm.s32 $0xC100;
	s9 =	sld [smem:$0x7F1]  }
0x333: {  	[hbm4b:s13+s1] =	stream.linear.scatter [tilespmem:s31], [sflag:$0x6], $0x400, $0x38;
	[tilespmem:$0x11900] =	vst v63  }
0x334: {  	s10 =	simm.s32 $0x10100;
	s11 =	sld [smem:$0x7F2]  }
0x335: {  	[hbm4b:s9+s1] =	stream.linear.scatter [tilespmem:s10], [sflag:$0x6], $0x400, $0x38;
	[tilespmem:$0x11900] =	vst v63  }
0x336: {  	s12 =	simm.s32 $0xC500;
	s13 =	sld [smem:$0x7F3]  }
0x337: {  	[hbm4b:s11+s1] =	stream.linear.scatter [tilespmem:s12], [sflag:$0x6], $0x400, $0x38;
	[tilespmem:$0x11900] =	vst v63  }
0x338: {  	s31 =	simm.s32 $0x10500;
	s10 =	sld [smem:$0x7F4]  }
0x339: {  	[hbm4b:s13+s1] =	stream.linear.scatter [tilespmem:s31], [sflag:$0x6], $0x400, $0x38;
	[tilespmem:$0x11900] =	vst v63  }
0x33a: {  	s11 =	simm.s32 $0xC900;
	s12 =	sld [smem:$0x7F5]  }
0x33b: {  	[hbm4b:s10+s1] =	stream.linear.scatter [tilespmem:s11], [sflag:$0x6], $0x400, $0x38;
	[tilespmem:$0x11900] =	vst v63  }
0x33c: {  	s13 =	sld [smem:$0x7F6]  }
0x33d: {  	[hbm4b:s12+s1] =	stream.linear.scatter [tilespmem:s14], [sflag:$0x6], $0x400, $0x38;
	[tilespmem:$0x11900] =	vst v63  }
0x33e: {  	s31 =	sld [smem:$0x7F7]  }
0x33f: {  	[hbm4b:s13+s1] =	stream.linear.scatter [tilespmem:s15], [sflag:$0x6], $0x400, $0x38;
	[tilespmem:$0x11900] =	vst v63  }
0x340: {  	s9 =	sld [smem:$0x7F8]  }
0x341: {  	[hbm4b:s31+s1] =	stream.linear.scatter [tilespmem:s16], [sflag:$0x6], $0x400, $0x38;
	[tilespmem:$0x11900] =	vst v63  }
0x342: {  	s10 =	sld [smem:$0x7F9]  }
0x343: {  	[hbm4b:s9+s1] =	stream.linear.scatter [tilespmem:s17], [sflag:$0x6], $0x400, $0x38;
	[tilespmem:$0x11900] =	vst v63  }
0x344: {  	s11 =	sld [smem:$0x7FA]  }
0x345: {  	[hbm4b:s10+s1] =	stream.linear.scatter [tilespmem:s18], [sflag:$0x6], $0x400, $0x38;
	[tilespmem:$0x11900] =	vst v63  }
0x346: {  	s12 =	sld [smem:$0x7FB]  }
0x347: {  	[hbm4b:s11+s1] =	stream.linear.scatter [tilespmem:s19], [sflag:$0x6], $0x400, $0x38;
	[tilespmem:$0x11900] =	vst v63  }
0x348: {  	_ = 	snop  }
0x349: {  	[hbm4b:s12+s1] =	stream.linear.scatter [tilespmem:s20], [sflag:$0x6], $0x400, $0x38;
	[tilespmem:$0x11900] =	vst v63  }
0x34a: {  	_ =	swait.ge [sflag:s21], $0x400  }
0x34b: {  	[sflag:s21] =	ssyncset.done $0x0  }
0x34c: {  	[sflag:s21] =	ssyncadd.s32 $0xFFFFFC00  }
0x34d: {  	_ =	swait.ge [sflag:s21], $0x400  }
0x34e: {  	[sflag:s21] =	ssyncset.done $0x0  }
0x34f: {  	[sflag:s21] =	ssyncadd.s32 $0xFFFFFC00  }
0x350: {  	_ =	swait.ge [sflag:s21], $0x400  }
0x351: {  	[sflag:s21] =	ssyncset.done $0x0  }
0x352: {  	[sflag:s21] =	ssyncadd.s32 $0xFFFFFC00  }
0x353: {  	_ =	swait.ge [sflag:s21], $0x400  }
0x354: {  	[sflag:s21] =	ssyncset.done $0x0  }
0x355: {  	[sflag:s21] =	ssyncadd.s32 $0xFFFFFC00  }
0x356: {  	_ =	swait.ge [sflag:s21], $0x400  }
0x357: {  	[sflag:s21] =	ssyncset.done $0x0  }
0x358: {  	[sflag:s21] =	ssyncadd.s32 $0xFFFFFC00  }
0x359: {  	_ =	swait.ge [sflag:s21], $0x400  }
0x35a: {  	[sflag:s21] =	ssyncset.done $0x0  }
0x35b: {  	[sflag:s21] =	ssyncadd.s32 $0xFFFFFC00  }
0x35c: {  	_ =	swait.ge [sflag:s21], $0x400  }
0x35d: {  	[sflag:s21] =	ssyncset.done $0x0  }
0x35e: {  	[sflag:s21] =	ssyncadd.s32 $0xFFFFFC00  }
0x35f: {  	_ =	swait.ge [sflag:s21], $0x400  }
0x360: {  	[sflag:s21] =	ssyncset.done $0x0  }
0x361: {  	[sflag:s21] =	ssyncadd.s32 $0xFFFFFC00  }
0x362: {  	_ =	swait.ge [sflag:s21], $0x400  }
0x363: {  	[sflag:s21] =	ssyncset.done $0x0  }
0x364: {  	[sflag:s21] =	ssyncadd.s32 $0xFFFFFC00  }
0x365: {  	_ =	swait.ge [sflag:s21], $0x400  }
0x366: {  	[sflag:s21] =	ssyncset.done $0x0  }
0x367: {  	[sflag:s21] =	ssyncadd.s32 $0xFFFFFC00  }
0x368: {  	_ =	swait.ge [sflag:s21], $0x400  }
0x369: {  	[sflag:s21] =	ssyncset.done $0x0  }
0x36a: {  	[sflag:s21] =	ssyncadd.s32 $0xFFFFFC00  }
0x36b: {  	_ =	swait.ge [sflag:s21], $0x400  }
0x36c: {  	[sflag:s21] =	ssyncset.done $0x0  }
0x36d: {  	[sflag:s21] =	ssyncadd.s32 $0xFFFFFC00  }
0x36e: {  	_ =	swait.ge [sflag:s21], $0x400  }
0x36f: {  	[sflag:s21] =	ssyncset.done $0x0  }
0x370: {  	[sflag:s21] =	ssyncadd.s32 $0xFFFFFC00  }
0x371: {  	_ =	swait.ge [sflag:s21], $0x400  }
0x372: {  	[sflag:s21] =	ssyncset.done $0x0  }
0x373: {  	[sflag:s21] =	ssyncadd.s32 $0xFFFFFC00  }
0x374: {  	_ =	swait.ge [sflag:s21], $0x400  }
0x375: {  	[sflag:s21] =	ssyncset.done $0x0  }
0x376: {  	[sflag:s21] =	ssyncadd.s32 $0xFFFFFC00  }
0x377: {  	_ =	swait.ge [sflag:s21], $0x400  }
0x378: {  	[sflag:s21] =	ssyncset.done $0x0  }
0x379: {  	[sflag:s21] =	ssyncadd.s32 $0xFFFFFC00  }
0x37a: {  	_ =	swait.ge [sflag:s22], $0x400  }
0x37b: {  	[sflag:s22] =	ssyncset.done $0x0  }
0x37c: {  	[sflag:s22] =	ssyncadd.s32 $0xFFFFFC00  }
0x37d: {  	_ =	swait.ge [sflag:s22], $0x400  }
0x37e: {  	[sflag:s22] =	ssyncset.done $0x0  }
0x37f: {  	[sflag:s22] =	ssyncadd.s32 $0xFFFFFC00  }
0x380: {  	_ =	swait.ge [sflag:s22], $0x400  }
0x381: {  	[sflag:s22] =	ssyncset.done $0x0  }
0x382: {  	[sflag:s22] =	ssyncadd.s32 $0xFFFFFC00  }
0x383: {  	_ =	swait.ge [sflag:s22], $0x400  }
0x384: {  	[sflag:s22] =	ssyncset.done $0x0  }
0x385: {  	[sflag:s22] =	ssyncadd.s32 $0xFFFFFC00  }
0x386: {  	_ =	swait.ge [sflag:s22], $0x400  }
0x387: {  	[sflag:s22] =	ssyncset.done $0x0  }
0x388: {  	[sflag:s22] =	ssyncadd.s32 $0xFFFFFC00  }
0x389: {  	_ =	swait.ge [sflag:s22], $0x400  }
0x38a: {  	[sflag:s22] =	ssyncset.done $0x0  }
0x38b: {  	[sflag:s22] =	ssyncadd.s32 $0xFFFFFC00  }
0x38c: {  	_ =	swait.ge [sflag:s22], $0x400  }
0x38d: {  	[sflag:s22] =	ssyncset.done $0x0  }
0x38e: {  	[sflag:s22] =	ssyncadd.s32 $0xFFFFFC00  }
0x38f: {  	_ =	swait.ge [sflag:s22], $0x400  }
0x390: {  	[sflag:s22] =	ssyncset.done $0x0  }
0x391: {  	[sflag:s22] =	ssyncadd.s32 $0xFFFFFC00  }
0x392: {  	_ =	swait.ge [sflag:s22], $0x400  }
0x393: {  	[sflag:s22] =	ssyncset.done $0x0  }
0x394: {  	[sflag:s22] =	ssyncadd.s32 $0xFFFFFC00  }
0x395: {  	_ =	swait.ge [sflag:s22], $0x400  }
0x396: {  	[sflag:s22] =	ssyncset.done $0x0  }
0x397: {  	[sflag:s22] =	ssyncadd.s32 $0xFFFFFC00  }
0x398: {  	_ =	swait.ge [sflag:s22], $0x400  }
0x399: {  	[sflag:s22] =	ssyncset.done $0x0  }
0x39a: {  	[sflag:s22] =	ssyncadd.s32 $0xFFFFFC00  }
0x39b: {  	_ =	swait.ge [sflag:s22], $0x400  }
0x39c: {  	[sflag:s22] =	ssyncset.done $0x0  }
0x39d: {  	[sflag:s22] =	ssyncadd.s32 $0xFFFFFC00  }
0x39e: {  	_ =	swait.ge [sflag:s22], $0x400  }
0x39f: {  	[sflag:s22] =	ssyncset.done $0x0  }
0x3a0: {  	[sflag:s22] =	ssyncadd.s32 $0xFFFFFC00  }
0x3a1: {  	_ =	swait.ge [sflag:s22], $0x400  }
0x3a2: {  	[sflag:s22] =	ssyncset.done $0x0  }
0x3a3: {  	[sflag:s22] =	ssyncadd.s32 $0xFFFFFC00  }
0x3a4: {  	_ =	swait.ge [sflag:s22], $0x400  }
0x3a5: {  	[sflag:s22] =	ssyncset.done $0x0  }
0x3a6: {  	[sflag:s22] =	ssyncadd.s32 $0xFFFFFC00  }
0x3a7: {  	_ =	swait.ge [sflag:s22], $0x400  }
0x3a8: {  	s13 =	sld [smem:$0x7D8];
	_ =	sdelay $0x2  }
0x3a9: {  	s31 =	rddreg [dreg:$0x4];
	s9 =	sadd.s32 $0x1, s13  }
0x3aa: {  	p0 =	sne.s32 s9, s31  }
.Ltmp7:
0x3ab: {  	_ = 	snop;
	(pc) =	sbr.rel @p0 .LBB2_1-.Ltmp7, $3  }
0x3ac: {  	_ =	sdelay $0x1  }
0x3ad: {  	[sflag:s22] =	ssyncset.done $0x0  }
0x3ae: {  	[sflag:s22] =	ssyncadd.s32 $0xFFFFFC00  }
0x3af: {  	_ =	sfence.sel $0x180000  }
0x3b0: {  	[bflag:$0x0] =	sbarrier.arrive $0xFFFF  }
0x3b1: {  	_ =	strace $0x90000047  }
0x3b2: {  	s0 =	stileid.u32;
	[bflag:$0x2] =	sbarrier.arrive $0xFFFF  }
0x3b3: {  	p0 =	sne.s32 s0, $0x0;
	s0 =	rddreg [dreg:$0x2]  }
0x3b4: {  	s0 =	sadd.s32 @!p0 $0x100000, s0  }
0x3b5: {  	[sflag:s0] =	ssyncadd.tile.s32 @!p0 $0x1;
	_ =	shalt  }
.Lfunc_end2:
_tile_overlayer_lowered:
.L_overlay_start_2:
0x3b6: {  	(tag) =	ssettag $0x2  }
0x3b7: {  	s0 =	rddreg [dreg:$0x0];
	s2 =	stileid.u32  }
0x3b8: {  	s1 =	rddreg [dreg:$0x1];
	p0 =	sne.s32 s2, $0x0  }
0x3b9: {  	s3 =	rddreg [dreg:$0x2];
	[bflag:$0x3] =	sbarrier.arrive $0xFFFF;
	s2 =	simm.s32 @!p0 $0x1C07  }
0x3ba: {  	[timem:s3], [sflag:s2] =	dma.local @!p0 [hbm:s0], s1  }
0x3bb: {  	s0 =	simm.s32 @!p0 $0x7  }
0x3bc: {  	_ =	swait.ge @!p0 [sflag:s0], s1  }
0x3bd: {  	s1 =	ssub.s32 @!p0 $0x0, s1;
	[sflag:s0] =	ssyncset.done @!p0 $0x0  }
0x3be: {  	[sflag:s0] =	ssyncadd.s32 @!p0 s1  }
0x3bf: {  	[bflag:$0x3] =	sbarrier.arrive $0xFFFF  }
0x3c0: {  	_ =	shalt  }

</sc_bundles>
